<compile_context>
chip_gen: v7x
topology: tpu7x:2x2x1
jax: 0.10.2.dev20260603
libtpu: 0.0.44.dev20260713+nightly
codegen_flags: <defaults>
</compile_context>

<pallas_src>
import functools

import jax
import jax.numpy as jnp
from jax import lax
from jax.experimental import pallas as pl
from jax.experimental.pallas import tpu as pltpu
from jax.experimental.pallas import tpu_sc as plsc

NUM_CORES = 2
NUM_SUBCORES = 16
BATCH = 128
ROUNDS = 2
PAD = 2048


def _make_scatter_kernel(num_slots: int, num_indices: int):
  assert num_indices % (NUM_SUBCORES * BATCH) == 0
  assert num_slots % (NUM_CORES * ROUNDS) == 0
  rows_per_tile = num_indices // (NUM_SUBCORES * BATCH)
  quarter = num_slots // (NUM_CORES * ROUNDS)
  chunk = (quarter // NUM_SUBCORES) // 8 * 8
  tail = quarter - chunk * NUM_SUBCORES
  n_sub = 3
  assert chunk % (n_sub * 8) == 0
  sub = chunk // n_sub

  mesh = plsc.VectorSubcoreMesh(
      core_axis_name="c", subcore_axis_name="s", num_cores=NUM_CORES)

  @functools.partial(
      pl.kernel,
      out_type=jax.ShapeDtypeStruct((num_slots,), jnp.float32),
      mesh=mesh,
      scratch_types=[
          pltpu.VMEM((rows_per_tile, BATCH), jnp.int32),
          pltpu.VMEM((BATCH,), jnp.float32),
          pltpu.VMEM((16,), jnp.float32),
          pltpu.VMEM((sub,), jnp.float32),
          pltpu.VMEM((sub,), jnp.float32),
          pltpu.VMEM_SHARED((quarter + PAD,), jnp.float32),
          pltpu.SemaphoreType.DMA,
          pltpu.SemaphoreType.DMA,
          pltpu.SemaphoreType.DMA,
          pltpu.SemaphoreType.DMA,
      ],
  )
  def scatter_kernel(steps_hbm, idx_hbm, gs_hbm, out_hbm,
                     idx_v, val_v, gs_v, buf0, buf1, table_sh,
                     idx_sem, buf_sem0, buf_sem1, sem):
    cid = lax.axis_index("c")
    sid = lax.axis_index("s")

    idx_cp = pltpu.async_copy(idx_hbm.at[sid], idx_v, idx_sem)

    pltpu.sync_copy(gs_hbm, gs_v)
    gs_vec = gs_v[...]
    for i in range(BATCH // 16):
      val_v[pl.ds(i * 16, 16)] = gs_vec

    off = sid * chunk
    bufs = (buf0, buf1)
    sems = (buf_sem0, buf_sem1)
    quarter_vec = jnp.full((16,), quarter, jnp.int32)
    quarter_uvec = jnp.full((16,), quarter, jnp.uint32)
    zero_vec = jnp.full((16,), 0, jnp.int32)
    mask_vec = jnp.full((16,), PAD - 1, jnp.int32)

    for r in range(ROUNDS):
      base = (cid + NUM_CORES * r) * quarter
      base_vec = zero_vec + base

      loads = [None, None]
      loads[0] = pltpu.async_copy(
          steps_hbm.at[pl.ds(base + off, sub)], buf0, buf_sem0)
      for k in range(n_sub):
        if k + 1 < n_sub:
          loads[(k + 1) % 2] = pltpu.async_copy(
              steps_hbm.at[pl.ds(base + off + (k + 1) * sub, sub)],
              bufs[(k + 1) % 2], sems[(k + 1) % 2])
        loads[k % 2].wait()
        pltpu.sync_copy(bufs[k % 2], table_sh.at[pl.ds(off + k * sub, sub)])
      if tail:
        @pl.when(sid == NUM_SUBCORES - 1)
        def _():
          pltpu.sync_copy(
              steps_hbm.at[pl.ds(base + chunk * NUM_SUBCORES, tail)],
              buf0.at[pl.ds(0, tail)])
          pltpu.sync_copy(buf0.at[pl.ds(0, tail)],
                          table_sh.at[pl.ds(chunk * NUM_SUBCORES, tail)])

      idx_cp.wait()

      def clamp_body(h, _):
        for rr in range(2):
          g = h * 2 + rr
          for j in range(BATCH // 16):
            iv = idx_v[g, pl.ds(j * 16, 16)] - base_vec
            ok = plsc.bitcast(iv, jnp.uint32) < quarter_uvec
            dummy = quarter_vec + (iv & mask_vec)
            idx_v[g, pl.ds(j * 16, 16)] = jnp.where(ok, iv, dummy)
        return 0

      lax.fori_loop(0, rows_per_tile // 2, clamp_body, 0)

      plsc.subcore_barrier()

      def issue_body(g, _):
        pltpu.async_copy(val_v, table_sh.at[idx_v.at[g]], sem)
        return 0

      lax.fori_loop(0, rows_per_tile, issue_body, 0)

      def drain_body(g, _):
        pltpu.make_async_copy(val_v, table_sh.at[idx_v.at[0]], sem).wait()
        return 0

      lax.fori_loop(0, rows_per_tile, drain_body, 0)

      plsc.subcore_barrier()

      if r + 1 < ROUNDS:
        idx_cp = pltpu.async_copy(idx_hbm.at[sid], idx_v, idx_sem)

      stores = [None, None]
      for k in range(n_sub):
        if stores[k % 2] is not None:
          stores[k % 2].wait()
        pltpu.sync_copy(table_sh.at[pl.ds(off + k * sub, sub)], bufs[k % 2])
        stores[k % 2] = pltpu.async_copy(
            bufs[k % 2], out_hbm.at[pl.ds(base + off + k * sub, sub)],
            sems[k % 2])
      for d in stores:
        d.wait()
      if tail:
        @pl.when(sid == NUM_SUBCORES - 1)
        def _():
          pltpu.sync_copy(table_sh.at[pl.ds(chunk * NUM_SUBCORES, tail)],
                          buf0.at[pl.ds(0, tail)])
          pltpu.sync_copy(
              buf0.at[pl.ds(0, tail)],
              out_hbm.at[pl.ds(base + chunk * NUM_SUBCORES, tail)])

  return scatter_kernel


def kernel(steps, index, global_step):
  num_slots = steps.shape[0]
  num_indices = index.shape[0]
  rows_per_tile = num_indices // (NUM_SUBCORES * BATCH)
  idx3 = jnp.reshape(index, (NUM_SUBCORES, rows_per_tile, BATCH))
  gs = jnp.full((16,), global_step, dtype=jnp.float32)
  f = _make_scatter_kernel(num_slots, num_indices)
  return f(steps, idx3, gs)

# --- scband reference (transcript-rebuilt; emitter-appended) ---
"""Pipeline reference for scband-global-step-filter-hook-impl-53300544143802 (READ-ONLY COPY).

The authoritative reference and input builder live on the scoring server;
editing this copy changes nothing except your own understanding.
"""

import jax, jax.numpy as jnp
import numpy as np

NUM_SLOTS = 1000000
NUM_INDICES = 1638400
GLOBAL_STEP = 1000


def setup_inputs(seed: int = 0) -> dict:
    key = jax.random.key(seed)
    k1, _ = jax.random.split(key)
    # Per-slot last-update-step buffer maintained by the hash table
    # (float32 so the scatter participates in autodiff in the fwdbwd variant).
    steps = jnp.zeros((NUM_SLOTS,), dtype=jnp.float32)
    # Indices of features accessed in this lookup (forward(index) -> update(index)).
    index = jax.random.randint(k1, (NUM_INDICES,), 0, NUM_SLOTS, dtype=jnp.int32)
    # Current global step counter (_global_step attribute), passed as a scalar.
    global_step = GLOBAL_STEP
    return {"steps": steps, "index": index, "global_step": global_step}


def reference(steps, index, global_step):
    # GlobalStepFilterHookImpl.forward(index) calls update(index), which
    # scatter-overwrites the current global step into the per-slot step buffer
    # at the accessed indices: steps[index] = global_step.
    new_steps = steps.at[index].set(jnp.float32(global_step))
    return new_steps

if __name__ == "__main__":
    import jax
    _d = setup_inputs()
    print(jax.jit(kernel)(*tuple(_d.values())))

</pallas_src>

<mosaic_0001>
#map = affine_map<(d0, d1) -> (0)>
#map1 = affine_map<(d0, d1) -> (0, 0, 0)>
module attributes {stable_mosaic.version = 14 : i64} {
  func.func @scatter_kernel(%arg0: i32, %arg1: i32, %arg2: memref<1000000xf32, #tpu.memory_space<hbm>>, %arg3: memref<16x800x128xi32, #tpu.memory_space<hbm>>, %arg4: memref<16xf32, #tpu.memory_space<hbm>>, %arg5: memref<1000000xf32, #tpu.memory_space<hbm>>, %arg6: memref<800x128xi32, #tpu.memory_space<vmem>>, %arg7: memref<128xf32, #tpu.memory_space<vmem>>, %arg8: memref<16xf32, #tpu.memory_space<vmem>>, %arg9: memref<5208xf32, #tpu.memory_space<vmem>>, %arg10: memref<5208xf32, #tpu.memory_space<vmem>>, %arg11: memref<252048xf32, #tpu.memory_space<vmem_shared>>, %arg12: memref<!tpu.dma_semaphore, #tpu.memory_space<semaphore_mem>>, %arg13: memref<!tpu.dma_semaphore, #tpu.memory_space<semaphore_mem>>, %arg14: memref<!tpu.dma_semaphore, #tpu.memory_space<semaphore_mem>>, %arg15: memref<!tpu.dma_semaphore, #tpu.memory_space<semaphore_mem>>) attributes {dimension_semantics = [#tpu.dimension_semantics<core_parallel>, #tpu.dimension_semantics<subcore_parallel>], iteration_bounds = array<i64: 2, 16>, scalar_prefetch = 0 : i64, scratch_operands = 10 : i64, tpu.core_type = #tpu.core_type<sc_vector_subcore>, window_params = [{transform_indices = #map}, {transform_indices = #map1}, {transform_indices = #map}, {transform_indices = #map}]} {
    %dma_start3A = arith.constant 0 : i32
    %dma_start3A_0 = arith.constant 0 : i32
    %dma_start3A_1 = tpu.memref_slice %arg3[%arg1, %dma_start3A, %dma_start3A_0] : memref<16x800x128xi32, #tpu.memory_space<hbm>> -> memref<1x800x128xi32, #tpu.memory_space<hbm>>
    %dma_start3A_2 = tpu.memref_squeeze %dma_start3A_1 : memref<1x800x128xi32, #tpu.memory_space<hbm>> -> memref<800x128xi32, #tpu.memory_space<hbm>>
    %dma_start3A_3 = arith.constant 0 : i32
    %dma_start3A_4 = arith.constant 0 : i32
    %dma_start3A_5 = tpu.memref_slice %arg3[%arg1, %dma_start3A_3, %dma_start3A_4] : memref<16x800x128xi32, #tpu.memory_space<hbm>> -> memref<1x800x128xi32, #tpu.memory_space<hbm>>
    %dma_start3A_6 = tpu.memref_squeeze %dma_start3A_5 : memref<1x800x128xi32, #tpu.memory_space<hbm>> -> memref<800x128xi32, #tpu.memory_space<hbm>>
    tpu.enqueue_dma source(%dma_start3A_6 : memref<800x128xi32, #tpu.memory_space<hbm>>) target(%arg6 : memref<800x128xi32, #tpu.memory_space<vmem>>) target_semaphore(%arg12 : memref<!tpu.dma_semaphore, #tpu.memory_space<semaphore_mem>>)
    "tpu.region"() ({
      %run_scoped3A = tpu.sem_alloc : memref<!tpu.dma_semaphore, #tpu.memory_space<semaphore_mem>>
      tpu.enqueue_dma source(%arg4 : memref<16xf32, #tpu.memory_space<hbm>>) target(%arg8 : memref<16xf32, #tpu.memory_space<vmem>>) target_semaphore(%run_scoped3A : memref<!tpu.dma_semaphore, #tpu.memory_space<semaphore_mem>>)
      tpu.wait_dma2 semaphore(%run_scoped3A : memref<!tpu.dma_semaphore, #tpu.memory_space<semaphore_mem>>) src(%arg4 : memref<16xf32, #tpu.memory_space<hbm>>) dst(%arg8 : memref<16xf32, #tpu.memory_space<vmem>>)
      tpu.yield
    }) : () -> ()
    %get3A = arith.constant 0 : index
    %get3A_7 = tpu.vector_load %arg8[%get3A] {strides = array<i32>} : memref<16xf32, #tpu.memory_space<vmem>>, vector<16xf32>,
    %get3A_8 = vector.shape_cast %get3A_7 : vector<16xf32> to vector<16xf32>
    %swap3A = arith.constant 0 : index
    %swap3A_9 = tpu.vector_load %arg7[%swap3A] {strides = array<i32>} : memref<128xf32, #tpu.memory_space<vmem>>, vector<16xf32>,
    %swap3A_10 = vector.shape_cast %swap3A_9 : vector<16xf32> to vector<16xf32>
    %swap3A_11 = vector.shape_cast %get3A_8 : vector<16xf32> to vector<16xf32>
    tpu.vector_store %arg7[%swap3A], %swap3A_11 {strides = array<i32>} : memref<128xf32, #tpu.memory_space<vmem>>, vector<16xf32>,
    %swap3A_12 = arith.constant 16 : index
    %swap3A_13 = tpu.vector_load %arg7[%swap3A_12] {strides = array<i32>} : memref<128xf32, #tpu.memory_space<vmem>>, vector<16xf32>,
    %swap3A_14 = vector.shape_cast %swap3A_13 : vector<16xf32> to vector<16xf32>
    %swap3A_15 = vector.shape_cast %get3A_8 : vector<16xf32> to vector<16xf32>
    tpu.vector_store %arg7[%swap3A_12], %swap3A_15 {strides = array<i32>} : memref<128xf32, #tpu.memory_space<vmem>>, vector<16xf32>,
    %swap3A_16 = arith.constant 32 : index
    %swap3A_17 = tpu.vector_load %arg7[%swap3A_16] {strides = array<i32>} : memref<128xf32, #tpu.memory_space<vmem>>, vector<16xf32>,
    %swap3A_18 = vector.shape_cast %swap3A_17 : vector<16xf32> to vector<16xf32>
    %swap3A_19 = vector.shape_cast %get3A_8 : vector<16xf32> to vector<16xf32>
    tpu.vector_store %arg7[%swap3A_16], %swap3A_19 {strides = array<i32>} : memref<128xf32, #tpu.memory_space<vmem>>, vector<16xf32>,
    %swap3A_20 = arith.constant 48 : index
    %swap3A_21 = tpu.vector_load %arg7[%swap3A_20] {strides = array<i32>} : memref<128xf32, #tpu.memory_space<vmem>>, vector<16xf32>,
    %swap3A_22 = vector.shape_cast %swap3A_21 : vector<16xf32> to vector<16xf32>
    %swap3A_23 = vector.shape_cast %get3A_8 : vector<16xf32> to vector<16xf32>
    tpu.vector_store %arg7[%swap3A_20], %swap3A_23 {strides = array<i32>} : memref<128xf32, #tpu.memory_space<vmem>>, vector<16xf32>,
    %swap3A_24 = arith.constant 64 : index
    %swap3A_25 = tpu.vector_load %arg7[%swap3A_24] {strides = array<i32>} : memref<128xf32, #tpu.memory_space<vmem>>, vector<16xf32>,
    %swap3A_26 = vector.shape_cast %swap3A_25 : vector<16xf32> to vector<16xf32>
    %swap3A_27 = vector.shape_cast %get3A_8 : vector<16xf32> to vector<16xf32>
    tpu.vector_store %arg7[%swap3A_24], %swap3A_27 {strides = array<i32>} : memref<128xf32, #tpu.memory_space<vmem>>, vector<16xf32>,
    %swap3A_28 = arith.constant 80 : index
    %swap3A_29 = tpu.vector_load %arg7[%swap3A_28] {strides = array<i32>} : memref<128xf32, #tpu.memory_space<vmem>>, vector<16xf32>,
    %swap3A_30 = vector.shape_cast %swap3A_29 : vector<16xf32> to vector<16xf32>
    %swap3A_31 = vector.shape_cast %get3A_8 : vector<16xf32> to vector<16xf32>
    tpu.vector_store %arg7[%swap3A_28], %swap3A_31 {strides = array<i32>} : memref<128xf32, #tpu.memory_space<vmem>>, vector<16xf32>,
    %swap3A_32 = arith.constant 96 : index
    %swap3A_33 = tpu.vector_load %arg7[%swap3A_32] {strides = array<i32>} : memref<128xf32, #tpu.memory_space<vmem>>, vector<16xf32>,
    %swap3A_34 = vector.shape_cast %swap3A_33 : vector<16xf32> to vector<16xf32>
    %swap3A_35 = vector.shape_cast %get3A_8 : vector<16xf32> to vector<16xf32>
    tpu.vector_store %arg7[%swap3A_32], %swap3A_35 {strides = array<i32>} : memref<128xf32, #tpu.memory_space<vmem>>, vector<16xf32>,
    %swap3A_36 = arith.constant 112 : index
    %swap3A_37 = tpu.vector_load %arg7[%swap3A_36] {strides = array<i32>} : memref<128xf32, #tpu.memory_space<vmem>>, vector<16xf32>,
    %swap3A_38 = vector.shape_cast %swap3A_37 : vector<16xf32> to vector<16xf32>
    %swap3A_39 = vector.shape_cast %get3A_8 : vector<16xf32> to vector<16xf32>
    tpu.vector_store %arg7[%swap3A_36], %swap3A_39 {strides = array<i32>} : memref<128xf32, #tpu.memory_space<vmem>>, vector<16xf32>,
    %mul3A = arith.constant 15624 : i32
    %mul3A_40 = arith.muli %arg1, %mul3A : i32
    %broadcast_in_dim3A = arith.constant 250000 : i32
    %broadcast_in_dim3A_41 = vector.broadcast %broadcast_in_dim3A : i32 to vector<16xi32>
    %broadcast_in_dim3A_42 = arith.constant 250000 : i32
    %broadcast_in_dim3A_43 = vector.broadcast %broadcast_in_dim3A_42 : i32 to vector<16xi32>
    %broadcast_in_dim3A_44 = arith.constant 0 : i32
    %broadcast_in_dim3A_45 = vector.broadcast %broadcast_in_dim3A_44 : i32 to vector<16xi32>
    %broadcast_in_dim3A_46 = arith.constant 2047 : i32
    %broadcast_in_dim3A_47 = vector.broadcast %broadcast_in_dim3A_46 : i32 to vector<16xi32>
    %add3A = arith.constant 0 : i32
    %add3A_48 = arith.addi %arg0, %add3A : i32
    %mul3A_49 = arith.constant 250000 : i32
    %mul3A_50 = arith.muli %add3A_48, %mul3A_49 : i32
    %add3A_51 = vector.broadcast %mul3A_50 : i32 to vector<16xi32>
    %add3A_52 = arith.addi %broadcast_in_dim3A_45, %add3A_51 : vector<16xi32>
    %add3A_53 = arith.addi %mul3A_50, %mul3A_40 : i32
    %dma_start3A_54 = tpu.memref_slice %arg2[%add3A_53] : memref<1000000xf32, #tpu.memory_space<hbm>> -> memref<5208xf32, #tpu.memory_space<hbm>>
    %dma_start3A_55 = tpu.memref_slice %arg2[%add3A_53] : memref<1000000xf32, #tpu.memory_space<hbm>> -> memref<5208xf32, #tpu.memory_space<hbm>>
    tpu.enqueue_dma source(%dma_start3A_55 : memref<5208xf32, #tpu.memory_space<hbm>>) target(%arg9 : memref<5208xf32, #tpu.memory_space<vmem>>) target_semaphore(%arg13 : memref<!tpu.dma_semaphore, #tpu.memory_space<semaphore_mem>>)
    %add3A_56 = arith.addi %mul3A_50, %mul3A_40 : i32
    %add3A_57 = arith.constant 5208 : i32
    %add3A_58 = arith.addi %add3A_56, %add3A_57 : i32
    %dma_start3A_59 = tpu.memref_slice %arg2[%add3A_58] : memref<1000000xf32, #tpu.memory_space<hbm>> -> memref<5208xf32, #tpu.memory_space<hbm>>
    %dma_start3A_60 = tpu.memref_slice %arg2[%add3A_58] : memref<1000000xf32, #tpu.memory_space<hbm>> -> memref<5208xf32, #tpu.memory_space<hbm>>
    tpu.enqueue_dma source(%dma_start3A_60 : memref<5208xf32, #tpu.memory_space<hbm>>) target(%arg10 : memref<5208xf32, #tpu.memory_space<vmem>>) target_semaphore(%arg14 : memref<!tpu.dma_semaphore, #tpu.memory_space<semaphore_mem>>)
    %dma_wait3A = tpu.memref_slice %arg2[%add3A_53] : memref<1000000xf32, #tpu.memory_space<hbm>> -> memref<5208xf32, #tpu.memory_space<hbm>>
    %dma_wait3A_61 = tpu.memref_slice %arg2[%add3A_53] : memref<1000000xf32, #tpu.memory_space<hbm>> -> memref<5208xf32, #tpu.memory_space<hbm>>
    tpu.wait_dma2 semaphore(%arg13 : memref<!tpu.dma_semaphore, #tpu.memory_space<semaphore_mem>>) src(%dma_wait3A_61 : memref<5208xf32, #tpu.memory_space<hbm>>) dst(%arg9 : memref<5208xf32, #tpu.memory_space<vmem>>)
    %add3A_62 = arith.constant 0 : i32
    %add3A_63 = arith.addi %mul3A_40, %add3A_62 : i32
    "tpu.region"() ({
      %run_scoped3A = tpu.sem_alloc : memref<!tpu.dma_semaphore, #tpu.memory_space<semaphore_mem>>
      %dma_start3A_247 = tpu.memref_slice %arg11[%add3A_63] : memref<252048xf32, #tpu.memory_space<vmem_shared>> -> memref<5208xf32, #tpu.memory_space<vmem_shared>>
      %dma_start3A_248 = tpu.memref_slice %arg11[%add3A_63] : memref<252048xf32, #tpu.memory_space<vmem_shared>> -> memref<5208xf32, #tpu.memory_space<vmem_shared>>
      tpu.enqueue_dma source(%arg9 : memref<5208xf32, #tpu.memory_space<vmem>>) target(%dma_start3A_248 : memref<5208xf32, #tpu.memory_space<vmem_shared>>) target_semaphore(%run_scoped3A : memref<!tpu.dma_semaphore, #tpu.memory_space<semaphore_mem>>)
      %dma_wait3A_249 = tpu.memref_slice %arg11[%add3A_63] : memref<252048xf32, #tpu.memory_space<vmem_shared>> -> memref<5208xf32, #tpu.memory_space<vmem_shared>>
      %dma_wait3A_250 = tpu.memref_slice %arg11[%add3A_63] : memref<252048xf32, #tpu.memory_space<vmem_shared>> -> memref<5208xf32, #tpu.memory_space<vmem_shared>>
      tpu.wait_dma2 semaphore(%run_scoped3A : memref<!tpu.dma_semaphore, #tpu.memory_space<semaphore_mem>>) src(%arg9 : memref<5208xf32, #tpu.memory_space<vmem>>) dst(%dma_wait3A_250 : memref<5208xf32, #tpu.memory_space<vmem_shared>>)
      tpu.yield
    }) : () -> ()
    %add3A_64 = arith.addi %mul3A_50, %mul3A_40 : i32
    %add3A_65 = arith.constant 10416 : i32
    %add3A_66 = arith.addi %add3A_64, %add3A_65 : i32
    %dma_start3A_67 = tpu.memref_slice %arg2[%add3A_66] : memref<1000000xf32, #tpu.memory_space<hbm>> -> memref<5208xf32, #tpu.memory_space<hbm>>
    %dma_start3A_68 = tpu.memref_slice %arg2[%add3A_66] : memref<1000000xf32, #tpu.memory_space<hbm>> -> memref<5208xf32, #tpu.memory_space<hbm>>
    tpu.enqueue_dma source(%dma_start3A_68 : memref<5208xf32, #tpu.memory_space<hbm>>) target(%arg9 : memref<5208xf32, #tpu.memory_space<vmem>>) target_semaphore(%arg13 : memref<!tpu.dma_semaphore, #tpu.memory_space<semaphore_mem>>)
    %dma_wait3A_69 = tpu.memref_slice %arg2[%add3A_58] : memref<1000000xf32, #tpu.memory_space<hbm>> -> memref<5208xf32, #tpu.memory_space<hbm>>
    %dma_wait3A_70 = tpu.memref_slice %arg2[%add3A_58] : memref<1000000xf32, #tpu.memory_space<hbm>> -> memref<5208xf32, #tpu.memory_space<hbm>>
    tpu.wait_dma2 semaphore(%arg14 : memref<!tpu.dma_semaphore, #tpu.memory_space<semaphore_mem>>) src(%dma_wait3A_70 : memref<5208xf32, #tpu.memory_space<hbm>>) dst(%arg10 : memref<5208xf32, #tpu.memory_space<vmem>>)
    %add3A_71 = arith.constant 5208 : i32
    %add3A_72 = arith.addi %mul3A_40, %add3A_71 : i32
    "tpu.region"() ({
      %run_scoped3A = tpu.sem_alloc : memref<!tpu.dma_semaphore, #tpu.memory_space<semaphore_mem>>
      %dma_start3A_247 = tpu.memref_slice %arg11[%add3A_72] : memref<252048xf32, #tpu.memory_space<vmem_shared>> -> memref<5208xf32, #tpu.memory_space<vmem_shared>>
      %dma_start3A_248 = tpu.memref_slice %arg11[%add3A_72] : memref<252048xf32, #tpu.memory_space<vmem_shared>> -> memref<5208xf32, #tpu.memory_space<vmem_shared>>
      tpu.enqueue_dma source(%arg10 : memref<5208xf32, #tpu.memory_space<vmem>>) target(%dma_start3A_248 : memref<5208xf32, #tpu.memory_space<vmem_shared>>) target_semaphore(%run_scoped3A : memref<!tpu.dma_semaphore, #tpu.memory_space<semaphore_mem>>)
      %dma_wait3A_249 = tpu.memref_slice %arg11[%add3A_72] : memref<252048xf32, #tpu.memory_space<vmem_shared>> -> memref<5208xf32, #tpu.memory_space<vmem_shared>>
      %dma_wait3A_250 = tpu.memref_slice %arg11[%add3A_72] : memref<252048xf32, #tpu.memory_space<vmem_shared>> -> memref<5208xf32, #tpu.memory_space<vmem_shared>>
      tpu.wait_dma2 semaphore(%run_scoped3A : memref<!tpu.dma_semaphore, #tpu.memory_space<semaphore_mem>>) src(%arg10 : memref<5208xf32, #tpu.memory_space<vmem>>) dst(%dma_wait3A_250 : memref<5208xf32, #tpu.memory_space<vmem_shared>>)
      tpu.yield
    }) : () -> ()
    %dma_wait3A_73 = tpu.memref_slice %arg2[%add3A_66] : memref<1000000xf32, #tpu.memory_space<hbm>> -> memref<5208xf32, #tpu.memory_space<hbm>>
    %dma_wait3A_74 = tpu.memref_slice %arg2[%add3A_66] : memref<1000000xf32, #tpu.memory_space<hbm>> -> memref<5208xf32, #tpu.memory_space<hbm>>
    tpu.wait_dma2 semaphore(%arg13 : memref<!tpu.dma_semaphore, #tpu.memory_space<semaphore_mem>>) src(%dma_wait3A_74 : memref<5208xf32, #tpu.memory_space<hbm>>) dst(%arg9 : memref<5208xf32, #tpu.memory_space<vmem>>)
    %add3A_75 = arith.constant 10416 : i32
    %add3A_76 = arith.addi %mul3A_40, %add3A_75 : i32
    "tpu.region"() ({
      %run_scoped3A = tpu.sem_alloc : memref<!tpu.dma_semaphore, #tpu.memory_space<semaphore_mem>>
      %dma_start3A_247 = tpu.memref_slice %arg11[%add3A_76] : memref<252048xf32, #tpu.memory_space<vmem_shared>> -> memref<5208xf32, #tpu.memory_space<vmem_shared>>
      %dma_start3A_248 = tpu.memref_slice %arg11[%add3A_76] : memref<252048xf32, #tpu.memory_space<vmem_shared>> -> memref<5208xf32, #tpu.memory_space<vmem_shared>>
      tpu.enqueue_dma source(%arg9 : memref<5208xf32, #tpu.memory_space<vmem>>) target(%dma_start3A_248 : memref<5208xf32, #tpu.memory_space<vmem_shared>>) target_semaphore(%run_scoped3A : memref<!tpu.dma_semaphore, #tpu.memory_space<semaphore_mem>>)
      %dma_wait3A_249 = tpu.memref_slice %arg11[%add3A_76] : memref<252048xf32, #tpu.memory_space<vmem_shared>> -> memref<5208xf32, #tpu.memory_space<vmem_shared>>
      %dma_wait3A_250 = tpu.memref_slice %arg11[%add3A_76] : memref<252048xf32, #tpu.memory_space<vmem_shared>> -> memref<5208xf32, #tpu.memory_space<vmem_shared>>
      tpu.wait_dma2 semaphore(%run_scoped3A : memref<!tpu.dma_semaphore, #tpu.memory_space<semaphore_mem>>) src(%arg9 : memref<5208xf32, #tpu.memory_space<vmem>>) dst(%dma_wait3A_250 : memref<5208xf32, #tpu.memory_space<vmem_shared>>)
      tpu.yield
    }) : () -> ()
    %eq3A = arith.constant 15 : i32
    %eq3A_77 = arith.cmpi eq, %arg1, %eq3A : i32
    %convert_element_type3A = arith.extui %eq3A_77 : i1 to i32
    %cond3A = arith.constant 0 : i32
    %cond3A_78 = arith.cmpi ne, %convert_element_type3A, %cond3A : i32
    scf.if %cond3A_78 {
      %add3A_247 = arith.constant 249984 : i32
      %add3A_248 = arith.addi %mul3A_50, %add3A_247 : i32
      "tpu.region"() ({
        %run_scoped3A = tpu.sem_alloc : memref<!tpu.dma_semaphore, #tpu.memory_space<semaphore_mem>>
        %dma_start3A_249 = arith.constant 0 : i32
        %dma_start3A_250 = tpu.memref_slice %arg9[%dma_start3A_249] : memref<5208xf32, #tpu.memory_space<vmem>> -> memref<16xf32, #tpu.memory_space<vmem>>
        %dma_start3A_251 = tpu.memref_slice %arg2[%add3A_248] : memref<1000000xf32, #tpu.memory_space<hbm>> -> memref<16xf32, #tpu.memory_space<hbm>>
        %dma_start3A_252 = arith.constant 0 : i32
        %dma_start3A_253 = tpu.memref_slice %arg9[%dma_start3A_252] : memref<5208xf32, #tpu.memory_space<vmem>> -> memref<16xf32, #tpu.memory_space<vmem>>
        %dma_start3A_254 = tpu.memref_slice %arg2[%add3A_248] : memref<1000000xf32, #tpu.memory_space<hbm>> -> memref<16xf32, #tpu.memory_space<hbm>>
        tpu.enqueue_dma source(%dma_start3A_254 : memref<16xf32, #tpu.memory_space<hbm>>) target(%dma_start3A_253 : memref<16xf32, #tpu.memory_space<vmem>>) target_semaphore(%run_scoped3A : memref<!tpu.dma_semaphore, #tpu.memory_space<semaphore_mem>>)
        %dma_wait3A_255 = arith.constant 0 : i32
        %dma_wait3A_256 = tpu.memref_slice %arg9[%dma_wait3A_255] : memref<5208xf32, #tpu.memory_space<vmem>> -> memref<16xf32, #tpu.memory_space<vmem>>
        %dma_wait3A_257 = tpu.memref_slice %arg2[%add3A_248] : memref<1000000xf32, #tpu.memory_space<hbm>> -> memref<16xf32, #tpu.memory_space<hbm>>
        %dma_wait3A_258 = arith.constant 0 : i32
        %dma_wait3A_259 = tpu.memref_slice %arg9[%dma_wait3A_258] : memref<5208xf32, #tpu.memory_space<vmem>> -> memref<16xf32, #tpu.memory_space<vmem>>
        %dma_wait3A_260 = tpu.memref_slice %arg2[%add3A_248] : memref<1000000xf32, #tpu.memory_space<hbm>> -> memref<16xf32, #tpu.memory_space<hbm>>
        tpu.wait_dma2 semaphore(%run_scoped3A : memref<!tpu.dma_semaphore, #tpu.memory_space<semaphore_mem>>) src(%dma_wait3A_260 : memref<16xf32, #tpu.memory_space<hbm>>) dst(%dma_wait3A_259 : memref<16xf32, #tpu.memory_space<vmem>>)
        tpu.yield
      }) : () -> ()
      "tpu.region"() ({
        %run_scoped3A = tpu.sem_alloc : memref<!tpu.dma_semaphore, #tpu.memory_space<semaphore_mem>>
        %dma_start3A_249 = arith.constant 0 : i32
        %dma_start3A_250 = tpu.memref_slice %arg9[%dma_start3A_249] : memref<5208xf32, #tpu.memory_space<vmem>> -> memref<16xf32, #tpu.memory_space<vmem>>
        %dma_start3A_251 = arith.constant 249984 : i32
        %dma_start3A_252 = tpu.memref_slice %arg11[%dma_start3A_251] : memref<252048xf32, #tpu.memory_space<vmem_shared>> -> memref<16xf32, #tpu.memory_space<vmem_shared>>
        %dma_start3A_253 = arith.constant 249984 : i32
        %dma_start3A_254 = tpu.memref_slice %arg11[%dma_start3A_253] : memref<252048xf32, #tpu.memory_space<vmem_shared>> -> memref<16xf32, #tpu.memory_space<vmem_shared>>
        %dma_start3A_255 = arith.constant 0 : i32
        %dma_start3A_256 = tpu.memref_slice %arg9[%dma_start3A_255] : memref<5208xf32, #tpu.memory_space<vmem>> -> memref<16xf32, #tpu.memory_space<vmem>>
        tpu.enqueue_dma source(%dma_start3A_256 : memref<16xf32, #tpu.memory_space<vmem>>) target(%dma_start3A_254 : memref<16xf32, #tpu.memory_space<vmem_shared>>) target_semaphore(%run_scoped3A : memref<!tpu.dma_semaphore, #tpu.memory_space<semaphore_mem>>)
        %dma_wait3A_257 = arith.constant 0 : i32
        %dma_wait3A_258 = tpu.memref_slice %arg9[%dma_wait3A_257] : memref<5208xf32, #tpu.memory_space<vmem>> -> memref<16xf32, #tpu.memory_space<vmem>>
        %dma_wait3A_259 = arith.constant 249984 : i32
        %dma_wait3A_260 = tpu.memref_slice %arg11[%dma_wait3A_259] : memref<252048xf32, #tpu.memory_space<vmem_shared>> -> memref<16xf32, #tpu.memory_space<vmem_shared>>
        %dma_wait3A_261 = arith.constant 249984 : i32
        %dma_wait3A_262 = tpu.memref_slice %arg11[%dma_wait3A_261] : memref<252048xf32, #tpu.memory_space<vmem_shared>> -> memref<16xf32, #tpu.memory_space<vmem_shared>>
        %dma_wait3A_263 = arith.constant 0 : i32
        %dma_wait3A_264 = tpu.memref_slice %arg9[%dma_wait3A_263] : memref<5208xf32, #tpu.memory_space<vmem>> -> memref<16xf32, #tpu.memory_space<vmem>>
        tpu.wait_dma2 semaphore(%run_scoped3A : memref<!tpu.dma_semaphore, #tpu.memory_space<semaphore_mem>>) src(%dma_wait3A_264 : memref<16xf32, #tpu.memory_space<vmem>>) dst(%dma_wait3A_262 : memref<16xf32, #tpu.memory_space<vmem_shared>>)
        tpu.yield
      }) : () -> ()
    } else {
    }
    %dma_wait3A_79 = arith.constant 0 : i32
    %dma_wait3A_80 = arith.constant 0 : i32
    %dma_wait3A_81 = tpu.memref_slice %arg3[%arg1, %dma_wait3A_79, %dma_wait3A_80] : memref<16x800x128xi32, #tpu.memory_space<hbm>> -> memref<1x800x128xi32, #tpu.memory_space<hbm>>
    %dma_wait3A_82 = tpu.memref_squeeze %dma_wait3A_81 : memref<1x800x128xi32, #tpu.memory_space<hbm>> -> memref<800x128xi32, #tpu.memory_space<hbm>>
    %dma_wait3A_83 = arith.constant 0 : i32
    %dma_wait3A_84 = arith.constant 0 : i32
    %dma_wait3A_85 = tpu.memref_slice %arg3[%arg1, %dma_wait3A_83, %dma_wait3A_84] : memref<16x800x128xi32, #tpu.memory_space<hbm>> -> memref<1x800x128xi32, #tpu.memory_space<hbm>>
    %dma_wait3A_86 = tpu.memref_squeeze %dma_wait3A_85 : memref<1x800x128xi32, #tpu.memory_space<hbm>> -> memref<800x128xi32, #tpu.memory_space<hbm>>
    tpu.wait_dma2 semaphore(%arg12 : memref<!tpu.dma_semaphore, #tpu.memory_space<semaphore_mem>>) src(%dma_wait3A_86 : memref<800x128xi32, #tpu.memory_space<hbm>>) dst(%arg6 : memref<800x128xi32, #tpu.memory_space<vmem>>)
    %scan3A = arith.constant 0 : i32
    %scan3A_87 = arith.constant 0 : i32
    %scan3A_88 = arith.constant 400 : i32
    %scan3A_89 = arith.addi %scan3A_87, %scan3A_88 : i32
    %scan3A_90 = arith.constant 1 : i32
    %scan3A_91 = scf.for %scan3A_247 = %scan3A_87 to %scan3A_89 step %scan3A_90 iter_args(%scan3A_248 = %scan3A) -> (i32)  : i32 {
      %mul3A_249 = arith.constant 2 : i32
      %mul3A_250 = arith.muli %scan3A_247, %mul3A_249 : i32
      %add3A_251 = arith.constant 0 : i32
      %add3A_252 = arith.addi %mul3A_250, %add3A_251 : i32
      %get3A_253 = arith.index_cast %add3A_252 : i32 to index
      %get3A_254 = arith.constant 0 : index
      %get3A_255 = tpu.vector_load %arg6[%get3A_253, %get3A_254] {strides = array<i32>} : memref<800x128xi32, #tpu.memory_space<vmem>>, vector<1x16xi32>,
      %get3A_256 = vector.shape_cast %get3A_255 : vector<1x16xi32> to vector<16xi32>
      %sub3A = arith.subi %get3A_256, %add3A_52 : vector<16xi32>
      %bitcast3A = vector.bitcast %sub3A : vector<16xi32> to vector<16xi32>
      %lt3A = arith.cmpi ult, %bitcast3A, %broadcast_in_dim3A_43 : vector<16xi32>
      %and3A = arith.andi %sub3A, %broadcast_in_dim3A_47 : vector<16xi32>
      %add3A_257 = arith.addi %broadcast_in_dim3A_41, %and3A : vector<16xi32>
      %select_n3A = arith.select %lt3A, %sub3A, %add3A_257 : vector<16xi1>, vector<16xi32>
      %swap3A_258 = arith.index_cast %add3A_252 : i32 to index
      %swap3A_259 = arith.constant 0 : index
      %swap3A_260 = tpu.vector_load %arg6[%swap3A_258, %swap3A_259] {strides = array<i32>} : memref<800x128xi32, #tpu.memory_space<vmem>>, vector<1x16xi32>,
      %swap3A_261 = vector.shape_cast %swap3A_260 : vector<1x16xi32> to vector<16xi32>
      %swap3A_262 = vector.shape_cast %select_n3A : vector<16xi32> to vector<1x16xi32>
      tpu.vector_store %arg6[%swap3A_258, %swap3A_259], %swap3A_262 {strides = array<i32>} : memref<800x128xi32, #tpu.memory_space<vmem>>, vector<1x16xi32>,
      %get3A_263 = arith.index_cast %add3A_252 : i32 to index
      %get3A_264 = arith.constant 16 : index
      %get3A_265 = tpu.vector_load %arg6[%get3A_263, %get3A_264] {strides = array<i32>} : memref<800x128xi32, #tpu.memory_space<vmem>>, vector<1x16xi32>,
      %get3A_266 = vector.shape_cast %get3A_265 : vector<1x16xi32> to vector<16xi32>
      %sub3A_267 = arith.subi %get3A_266, %add3A_52 : vector<16xi32>
      %bitcast3A_268 = vector.bitcast %sub3A_267 : vector<16xi32> to vector<16xi32>
      %lt3A_269 = arith.cmpi ult, %bitcast3A_268, %broadcast_in_dim3A_43 : vector<16xi32>
      %and3A_270 = arith.andi %sub3A_267, %broadcast_in_dim3A_47 : vector<16xi32>
      %add3A_271 = arith.addi %broadcast_in_dim3A_41, %and3A_270 : vector<16xi32>
      %select_n3A_272 = arith.select %lt3A_269, %sub3A_267, %add3A_271 : vector<16xi1>, vector<16xi32>
      %swap3A_273 = arith.index_cast %add3A_252 : i32 to index
      %swap3A_274 = arith.constant 16 : index
      %swap3A_275 = tpu.vector_load %arg6[%swap3A_273, %swap3A_274] {strides = array<i32>} : memref<800x128xi32, #tpu.memory_space<vmem>>, vector<1x16xi32>,
      %swap3A_276 = vector.shape_cast %swap3A_275 : vector<1x16xi32> to vector<16xi32>
      %swap3A_277 = vector.shape_cast %select_n3A_272 : vector<16xi32> to vector<1x16xi32>
      tpu.vector_store %arg6[%swap3A_273, %swap3A_274], %swap3A_277 {strides = array<i32>} : memref<800x128xi32, #tpu.memory_space<vmem>>, vector<1x16xi32>,
      %get3A_278 = arith.index_cast %add3A_252 : i32 to index
      %get3A_279 = arith.constant 32 : index
      %get3A_280 = tpu.vector_load %arg6[%get3A_278, %get3A_279] {strides = array<i32>} : memref<800x128xi32, #tpu.memory_space<vmem>>, vector<1x16xi32>,
      %get3A_281 = vector.shape_cast %get3A_280 : vector<1x16xi32> to vector<16xi32>
      %sub3A_282 = arith.subi %get3A_281, %add3A_52 : vector<16xi32>
      %bitcast3A_283 = vector.bitcast %sub3A_282 : vector<16xi32> to vector<16xi32>
      %lt3A_284 = arith.cmpi ult, %bitcast3A_283, %broadcast_in_dim3A_43 : vector<16xi32>
      %and3A_285 = arith.andi %sub3A_282, %broadcast_in_dim3A_47 : vector<16xi32>
      %add3A_286 = arith.addi %broadcast_in_dim3A_41, %and3A_285 : vector<16xi32>
      %select_n3A_287 = arith.select %lt3A_284, %sub3A_282, %add3A_286 : vector<16xi1>, vector<16xi32>
      %swap3A_288 = arith.index_cast %add3A_252 : i32 to index
      %swap3A_289 = arith.constant 32 : index
      %swap3A_290 = tpu.vector_load %arg6[%swap3A_288, %swap3A_289] {strides = array<i32>} : memref<800x128xi32, #tpu.memory_space<vmem>>, vector<1x16xi32>,
      %swap3A_291 = vector.shape_cast %swap3A_290 : vector<1x16xi32> to vector<16xi32>
      %swap3A_292 = vector.shape_cast %select_n3A_287 : vector<16xi32> to vector<1x16xi32>
      tpu.vector_store %arg6[%swap3A_288, %swap3A_289], %swap3A_292 {strides = array<i32>} : memref<800x128xi32, #tpu.memory_space<vmem>>, vector<1x16xi32>,
      %get3A_293 = arith.index_cast %add3A_252 : i32 to index
      %get3A_294 = arith.constant 48 : index
      %get3A_295 = tpu.vector_load %arg6[%get3A_293, %get3A_294] {strides = array<i32>} : memref<800x128xi32, #tpu.memory_space<vmem>>, vector<1x16xi32>,
      %get3A_296 = vector.shape_cast %get3A_295 : vector<1x16xi32> to vector<16xi32>
      %sub3A_297 = arith.subi %get3A_296, %add3A_52 : vector<16xi32>
      %bitcast3A_298 = vector.bitcast %sub3A_297 : vector<16xi32> to vector<16xi32>
      %lt3A_299 = arith.cmpi ult, %bitcast3A_298, %broadcast_in_dim3A_43 : vector<16xi32>
      %and3A_300 = arith.andi %sub3A_297, %broadcast_in_dim3A_47 : vector<16xi32>
      %add3A_301 = arith.addi %broadcast_in_dim3A_41, %and3A_300 : vector<16xi32>
      %select_n3A_302 = arith.select %lt3A_299, %sub3A_297, %add3A_301 : vector<16xi1>, vector<16xi32>
      %swap3A_303 = arith.index_cast %add3A_252 : i32 to index
      %swap3A_304 = arith.constant 48 : index
      %swap3A_305 = tpu.vector_load %arg6[%swap3A_303, %swap3A_304] {strides = array<i32>} : memref<800x128xi32, #tpu.memory_space<vmem>>, vector<1x16xi32>,
      %swap3A_306 = vector.shape_cast %swap3A_305 : vector<1x16xi32> to vector<16xi32>
      %swap3A_307 = vector.shape_cast %select_n3A_302 : vector<16xi32> to vector<1x16xi32>
      tpu.vector_store %arg6[%swap3A_303, %swap3A_304], %swap3A_307 {strides = array<i32>} : memref<800x128xi32, #tpu.memory_space<vmem>>, vector<1x16xi32>,
      %get3A_308 = arith.index_cast %add3A_252 : i32 to index
      %get3A_309 = arith.constant 64 : index
      %get3A_310 = tpu.vector_load %arg6[%get3A_308, %get3A_309] {strides = array<i32>} : memref<800x128xi32, #tpu.memory_space<vmem>>, vector<1x16xi32>,
      %get3A_311 = vector.shape_cast %get3A_310 : vector<1x16xi32> to vector<16xi32>
      %sub3A_312 = arith.subi %get3A_311, %add3A_52 : vector<16xi32>
      %bitcast3A_313 = vector.bitcast %sub3A_312 : vector<16xi32> to vector<16xi32>
      %lt3A_314 = arith.cmpi ult, %bitcast3A_313, %broadcast_in_dim3A_43 : vector<16xi32>
      %and3A_315 = arith.andi %sub3A_312, %broadcast_in_dim3A_47 : vector<16xi32>
      %add3A_316 = arith.addi %broadcast_in_dim3A_41, %and3A_315 : vector<16xi32>
      %select_n3A_317 = arith.select %lt3A_314, %sub3A_312, %add3A_316 : vector<16xi1>, vector<16xi32>
      %swap3A_318 = arith.index_cast %add3A_252 : i32 to index
      %swap3A_319 = arith.constant 64 : index
      %swap3A_320 = tpu.vector_load %arg6[%swap3A_318, %swap3A_319] {strides = array<i32>} : memref<800x128xi32, #tpu.memory_space<vmem>>, vector<1x16xi32>,
      %swap3A_321 = vector.shape_cast %swap3A_320 : vector<1x16xi32> to vector<16xi32>
      %swap3A_322 = vector.shape_cast %select_n3A_317 : vector<16xi32> to vector<1x16xi32>
      tpu.vector_store %arg6[%swap3A_318, %swap3A_319], %swap3A_322 {strides = array<i32>} : memref<800x128xi32, #tpu.memory_space<vmem>>, vector<1x16xi32>,
      %get3A_323 = arith.index_cast %add3A_252 : i32 to index
      %get3A_324 = arith.constant 80 : index
      %get3A_325 = tpu.vector_load %arg6[%get3A_323, %get3A_324] {strides = array<i32>} : memref<800x128xi32, #tpu.memory_space<vmem>>, vector<1x16xi32>,
      %get3A_326 = vector.shape_cast %get3A_325 : vector<1x16xi32> to vector<16xi32>
      %sub3A_327 = arith.subi %get3A_326, %add3A_52 : vector<16xi32>
      %bitcast3A_328 = vector.bitcast %sub3A_327 : vector<16xi32> to vector<16xi32>
      %lt3A_329 = arith.cmpi ult, %bitcast3A_328, %broadcast_in_dim3A_43 : vector<16xi32>
      %and3A_330 = arith.andi %sub3A_327, %broadcast_in_dim3A_47 : vector<16xi32>
      %add3A_331 = arith.addi %broadcast_in_dim3A_41, %and3A_330 : vector<16xi32>
      %select_n3A_332 = arith.select %lt3A_329, %sub3A_327, %add3A_331 : vector<16xi1>, vector<16xi32>
      %swap3A_333 = arith.index_cast %add3A_252 : i32 to index
      %swap3A_334 = arith.constant 80 : index
      %swap3A_335 = tpu.vector_load %arg6[%swap3A_333, %swap3A_334] {strides = array<i32>} : memref<800x128xi32, #tpu.memory_space<vmem>>, vector<1x16xi32>,
      %swap3A_336 = vector.shape_cast %swap3A_335 : vector<1x16xi32> to vector<16xi32>
      %swap3A_337 = vector.shape_cast %select_n3A_332 : vector<16xi32> to vector<1x16xi32>
      tpu.vector_store %arg6[%swap3A_333, %swap3A_334], %swap3A_337 {strides = array<i32>} : memref<800x128xi32, #tpu.memory_space<vmem>>, vector<1x16xi32>,
      %get3A_338 = arith.index_cast %add3A_252 : i32 to index
      %get3A_339 = arith.constant 96 : index
      %get3A_340 = tpu.vector_load %arg6[%get3A_338, %get3A_339] {strides = array<i32>} : memref<800x128xi32, #tpu.memory_space<vmem>>, vector<1x16xi32>,
      %get3A_341 = vector.shape_cast %get3A_340 : vector<1x16xi32> to vector<16xi32>
      %sub3A_342 = arith.subi %get3A_341, %add3A_52 : vector<16xi32>
      %bitcast3A_343 = vector.bitcast %sub3A_342 : vector<16xi32> to vector<16xi32>
      %lt3A_344 = arith.cmpi ult, %bitcast3A_343, %broadcast_in_dim3A_43 : vector<16xi32>
      %and3A_345 = arith.andi %sub3A_342, %broadcast_in_dim3A_47 : vector<16xi32>
      %add3A_346 = arith.addi %broadcast_in_dim3A_41, %and3A_345 : vector<16xi32>
      %select_n3A_347 = arith.select %lt3A_344, %sub3A_342, %add3A_346 : vector<16xi1>, vector<16xi32>
      %swap3A_348 = arith.index_cast %add3A_252 : i32 to index
      %swap3A_349 = arith.constant 96 : index
      %swap3A_350 = tpu.vector_load %arg6[%swap3A_348, %swap3A_349] {strides = array<i32>} : memref<800x128xi32, #tpu.memory_space<vmem>>, vector<1x16xi32>,
      %swap3A_351 = vector.shape_cast %swap3A_350 : vector<1x16xi32> to vector<16xi32>
      %swap3A_352 = vector.shape_cast %select_n3A_347 : vector<16xi32> to vector<1x16xi32>
      tpu.vector_store %arg6[%swap3A_348, %swap3A_349], %swap3A_352 {strides = array<i32>} : memref<800x128xi32, #tpu.memory_space<vmem>>, vector<1x16xi32>,
      %get3A_353 = arith.index_cast %add3A_252 : i32 to index
      %get3A_354 = arith.constant 112 : index
      %get3A_355 = tpu.vector_load %arg6[%get3A_353, %get3A_354] {strides = array<i32>} : memref<800x128xi32, #tpu.memory_space<vmem>>, vector<1x16xi32>,
      %get3A_356 = vector.shape_cast %get3A_355 : vector<1x16xi32> to vector<16xi32>
      %sub3A_357 = arith.subi %get3A_356, %add3A_52 : vector<16xi32>
      %bitcast3A_358 = vector.bitcast %sub3A_357 : vector<16xi32> to vector<16xi32>
      %lt3A_359 = arith.cmpi ult, %bitcast3A_358, %broadcast_in_dim3A_43 : vector<16xi32>
      %and3A_360 = arith.andi %sub3A_357, %broadcast_in_dim3A_47 : vector<16xi32>
      %add3A_361 = arith.addi %broadcast_in_dim3A_41, %and3A_360 : vector<16xi32>
      %select_n3A_362 = arith.select %lt3A_359, %sub3A_357, %add3A_361 : vector<16xi1>, vector<16xi32>
      %swap3A_363 = arith.index_cast %add3A_252 : i32 to index
      %swap3A_364 = arith.constant 112 : index
      %swap3A_365 = tpu.vector_load %arg6[%swap3A_363, %swap3A_364] {strides = array<i32>} : memref<800x128xi32, #tpu.memory_space<vmem>>, vector<1x16xi32>,
      %swap3A_366 = vector.shape_cast %swap3A_365 : vector<1x16xi32> to vector<16xi32>
      %swap3A_367 = vector.shape_cast %select_n3A_362 : vector<16xi32> to vector<1x16xi32>
      tpu.vector_store %arg6[%swap3A_363, %swap3A_364], %swap3A_367 {strides = array<i32>} : memref<800x128xi32, #tpu.memory_space<vmem>>, vector<1x16xi32>,
      %mul3A_368 = arith.constant 2 : i32
      %mul3A_369 = arith.muli %scan3A_247, %mul3A_368 : i32
      %add3A_370 = arith.constant 1 : i32
      %add3A_371 = arith.addi %mul3A_369, %add3A_370 : i32
      %get3A_372 = arith.index_cast %add3A_371 : i32 to index
      %get3A_373 = arith.constant 0 : index
      %get3A_374 = tpu.vector_load %arg6[%get3A_372, %get3A_373] {strides = array<i32>} : memref<800x128xi32, #tpu.memory_space<vmem>>, vector<1x16xi32>,
      %get3A_375 = vector.shape_cast %get3A_374 : vector<1x16xi32> to vector<16xi32>
      %sub3A_376 = arith.subi %get3A_375, %add3A_52 : vector<16xi32>
      %bitcast3A_377 = vector.bitcast %sub3A_376 : vector<16xi32> to vector<16xi32>
      %lt3A_378 = arith.cmpi ult, %bitcast3A_377, %broadcast_in_dim3A_43 : vector<16xi32>
      %and3A_379 = arith.andi %sub3A_376, %broadcast_in_dim3A_47 : vector<16xi32>
      %add3A_380 = arith.addi %broadcast_in_dim3A_41, %and3A_379 : vector<16xi32>
      %select_n3A_381 = arith.select %lt3A_378, %sub3A_376, %add3A_380 : vector<16xi1>, vector<16xi32>
      %swap3A_382 = arith.index_cast %add3A_371 : i32 to index
      %swap3A_383 = arith.constant 0 : index
      %swap3A_384 = tpu.vector_load %arg6[%swap3A_382, %swap3A_383] {strides = array<i32>} : memref<800x128xi32, #tpu.memory_space<vmem>>, vector<1x16xi32>,
      %swap3A_385 = vector.shape_cast %swap3A_384 : vector<1x16xi32> to vector<16xi32>
      %swap3A_386 = vector.shape_cast %select_n3A_381 : vector<16xi32> to vector<1x16xi32>
      tpu.vector_store %arg6[%swap3A_382, %swap3A_383], %swap3A_386 {strides = array<i32>} : memref<800x128xi32, #tpu.memory_space<vmem>>, vector<1x16xi32>,
      %get3A_387 = arith.index_cast %add3A_371 : i32 to index
      %get3A_388 = arith.constant 16 : index
      %get3A_389 = tpu.vector_load %arg6[%get3A_387, %get3A_388] {strides = array<i32>} : memref<800x128xi32, #tpu.memory_space<vmem>>, vector<1x16xi32>,
      %get3A_390 = vector.shape_cast %get3A_389 : vector<1x16xi32> to vector<16xi32>
      %sub3A_391 = arith.subi %get3A_390, %add3A_52 : vector<16xi32>
      %bitcast3A_392 = vector.bitcast %sub3A_391 : vector<16xi32> to vector<16xi32>
      %lt3A_393 = arith.cmpi ult, %bitcast3A_392, %broadcast_in_dim3A_43 : vector<16xi32>
      %and3A_394 = arith.andi %sub3A_391, %broadcast_in_dim3A_47 : vector<16xi32>
      %add3A_395 = arith.addi %broadcast_in_dim3A_41, %and3A_394 : vector<16xi32>
      %select_n3A_396 = arith.select %lt3A_393, %sub3A_391, %add3A_395 : vector<16xi1>, vector<16xi32>
      %swap3A_397 = arith.index_cast %add3A_371 : i32 to index
      %swap3A_398 = arith.constant 16 : index
      %swap3A_399 = tpu.vector_load %arg6[%swap3A_397, %swap3A_398] {strides = array<i32>} : memref<800x128xi32, #tpu.memory_space<vmem>>, vector<1x16xi32>,
      %swap3A_400 = vector.shape_cast %swap3A_399 : vector<1x16xi32> to vector<16xi32>
      %swap3A_401 = vector.shape_cast %select_n3A_396 : vector<16xi32> to vector<1x16xi32>
      tpu.vector_store %arg6[%swap3A_397, %swap3A_398], %swap3A_401 {strides = array<i32>} : memref<800x128xi32, #tpu.memory_space<vmem>>, vector<1x16xi32>,
      %get3A_402 = arith.index_cast %add3A_371 : i32 to index
      %get3A_403 = arith.constant 32 : index
      %get3A_404 = tpu.vector_load %arg6[%get3A_402, %get3A_403] {strides = array<i32>} : memref<800x128xi32, #tpu.memory_space<vmem>>, vector<1x16xi32>,
      %get3A_405 = vector.shape_cast %get3A_404 : vector<1x16xi32> to vector<16xi32>
      %sub3A_406 = arith.subi %get3A_405, %add3A_52 : vector<16xi32>
      %bitcast3A_407 = vector.bitcast %sub3A_406 : vector<16xi32> to vector<16xi32>
      %lt3A_408 = arith.cmpi ult, %bitcast3A_407, %broadcast_in_dim3A_43 : vector<16xi32>
      %and3A_409 = arith.andi %sub3A_406, %broadcast_in_dim3A_47 : vector<16xi32>
      %add3A_410 = arith.addi %broadcast_in_dim3A_41, %and3A_409 : vector<16xi32>
      %select_n3A_411 = arith.select %lt3A_408, %sub3A_406, %add3A_410 : vector<16xi1>, vector<16xi32>
      %swap3A_412 = arith.index_cast %add3A_371 : i32 to index
      %swap3A_413 = arith.constant 32 : index
      %swap3A_414 = tpu.vector_load %arg6[%swap3A_412, %swap3A_413] {strides = array<i32>} : memref<800x128xi32, #tpu.memory_space<vmem>>, vector<1x16xi32>,
      %swap3A_415 = vector.shape_cast %swap3A_414 : vector<1x16xi32> to vector<16xi32>
      %swap3A_416 = vector.shape_cast %select_n3A_411 : vector<16xi32> to vector<1x16xi32>
      tpu.vector_store %arg6[%swap3A_412, %swap3A_413], %swap3A_416 {strides = array<i32>} : memref<800x128xi32, #tpu.memory_space<vmem>>, vector<1x16xi32>,
      %get3A_417 = arith.index_cast %add3A_371 : i32 to index
      %get3A_418 = arith.constant 48 : index
      %get3A_419 = tpu.vector_load %arg6[%get3A_417, %get3A_418] {strides = array<i32>} : memref<800x128xi32, #tpu.memory_space<vmem>>, vector<1x16xi32>,
      %get3A_420 = vector.shape_cast %get3A_419 : vector<1x16xi32> to vector<16xi32>
      %sub3A_421 = arith.subi %get3A_420, %add3A_52 : vector<16xi32>
      %bitcast3A_422 = vector.bitcast %sub3A_421 : vector<16xi32> to vector<16xi32>
      %lt3A_423 = arith.cmpi ult, %bitcast3A_422, %broadcast_in_dim3A_43 : vector<16xi32>
      %and3A_424 = arith.andi %sub3A_421, %broadcast_in_dim3A_47 : vector<16xi32>
      %add3A_425 = arith.addi %broadcast_in_dim3A_41, %and3A_424 : vector<16xi32>
      %select_n3A_426 = arith.select %lt3A_423, %sub3A_421, %add3A_425 : vector<16xi1>, vector<16xi32>
      %swap3A_427 = arith.index_cast %add3A_371 : i32 to index
      %swap3A_428 = arith.constant 48 : index
      %swap3A_429 = tpu.vector_load %arg6[%swap3A_427, %swap3A_428] {strides = array<i32>} : memref<800x128xi32, #tpu.memory_space<vmem>>, vector<1x16xi32>,
      %swap3A_430 = vector.shape_cast %swap3A_429 : vector<1x16xi32> to vector<16xi32>
      %swap3A_431 = vector.shape_cast %select_n3A_426 : vector<16xi32> to vector<1x16xi32>
      tpu.vector_store %arg6[%swap3A_427, %swap3A_428], %swap3A_431 {strides = array<i32>} : memref<800x128xi32, #tpu.memory_space<vmem>>, vector<1x16xi32>,
      %get3A_432 = arith.index_cast %add3A_371 : i32 to index
      %get3A_433 = arith.constant 64 : index
      %get3A_434 = tpu.vector_load %arg6[%get3A_432, %get3A_433] {strides = array<i32>} : memref<800x128xi32, #tpu.memory_space<vmem>>, vector<1x16xi32>,
      %get3A_435 = vector.shape_cast %get3A_434 : vector<1x16xi32> to vector<16xi32>
      %sub3A_436 = arith.subi %get3A_435, %add3A_52 : vector<16xi32>
      %bitcast3A_437 = vector.bitcast %sub3A_436 : vector<16xi32> to vector<16xi32>
      %lt3A_438 = arith.cmpi ult, %bitcast3A_437, %broadcast_in_dim3A_43 : vector<16xi32>
      %and3A_439 = arith.andi %sub3A_436, %broadcast_in_dim3A_47 : vector<16xi32>
      %add3A_440 = arith.addi %broadcast_in_dim3A_41, %and3A_439 : vector<16xi32>
      %select_n3A_441 = arith.select %lt3A_438, %sub3A_436, %add3A_440 : vector<16xi1>, vector<16xi32>
      %swap3A_442 = arith.index_cast %add3A_371 : i32 to index
      %swap3A_443 = arith.constant 64 : index
      %swap3A_444 = tpu.vector_load %arg6[%swap3A_442, %swap3A_443] {strides = array<i32>} : memref<800x128xi32, #tpu.memory_space<vmem>>, vector<1x16xi32>,
      %swap3A_445 = vector.shape_cast %swap3A_444 : vector<1x16xi32> to vector<16xi32>
      %swap3A_446 = vector.shape_cast %select_n3A_441 : vector<16xi32> to vector<1x16xi32>
      tpu.vector_store %arg6[%swap3A_442, %swap3A_443], %swap3A_446 {strides = array<i32>} : memref<800x128xi32, #tpu.memory_space<vmem>>, vector<1x16xi32>,
      %get3A_447 = arith.index_cast %add3A_371 : i32 to index
      %get3A_448 = arith.constant 80 : index
      %get3A_449 = tpu.vector_load %arg6[%get3A_447, %get3A_448] {strides = array<i32>} : memref<800x128xi32, #tpu.memory_space<vmem>>, vector<1x16xi32>,
      %get3A_450 = vector.shape_cast %get3A_449 : vector<1x16xi32> to vector<16xi32>
      %sub3A_451 = arith.subi %get3A_450, %add3A_52 : vector<16xi32>
      %bitcast3A_452 = vector.bitcast %sub3A_451 : vector<16xi32> to vector<16xi32>
      %lt3A_453 = arith.cmpi ult, %bitcast3A_452, %broadcast_in_dim3A_43 : vector<16xi32>
      %and3A_454 = arith.andi %sub3A_451, %broadcast_in_dim3A_47 : vector<16xi32>
      %add3A_455 = arith.addi %broadcast_in_dim3A_41, %and3A_454 : vector<16xi32>
      %select_n3A_456 = arith.select %lt3A_453, %sub3A_451, %add3A_455 : vector<16xi1>, vector<16xi32>
      %swap3A_457 = arith.index_cast %add3A_371 : i32 to index
      %swap3A_458 = arith.constant 80 : index
      %swap3A_459 = tpu.vector_load %arg6[%swap3A_457, %swap3A_458] {strides = array<i32>} : memref<800x128xi32, #tpu.memory_space<vmem>>, vector<1x16xi32>,
      %swap3A_460 = vector.shape_cast %swap3A_459 : vector<1x16xi32> to vector<16xi32>
      %swap3A_461 = vector.shape_cast %select_n3A_456 : vector<16xi32> to vector<1x16xi32>
      tpu.vector_store %arg6[%swap3A_457, %swap3A_458], %swap3A_461 {strides = array<i32>} : memref<800x128xi32, #tpu.memory_space<vmem>>, vector<1x16xi32>,
      %get3A_462 = arith.index_cast %add3A_371 : i32 to index
      %get3A_463 = arith.constant 96 : index
      %get3A_464 = tpu.vector_load %arg6[%get3A_462, %get3A_463] {strides = array<i32>} : memref<800x128xi32, #tpu.memory_space<vmem>>, vector<1x16xi32>,
      %get3A_465 = vector.shape_cast %get3A_464 : vector<1x16xi32> to vector<16xi32>
      %sub3A_466 = arith.subi %get3A_465, %add3A_52 : vector<16xi32>
      %bitcast3A_467 = vector.bitcast %sub3A_466 : vector<16xi32> to vector<16xi32>
      %lt3A_468 = arith.cmpi ult, %bitcast3A_467, %broadcast_in_dim3A_43 : vector<16xi32>
      %and3A_469 = arith.andi %sub3A_466, %broadcast_in_dim3A_47 : vector<16xi32>
      %add3A_470 = arith.addi %broadcast_in_dim3A_41, %and3A_469 : vector<16xi32>
      %select_n3A_471 = arith.select %lt3A_468, %sub3A_466, %add3A_470 : vector<16xi1>, vector<16xi32>
      %swap3A_472 = arith.index_cast %add3A_371 : i32 to index
      %swap3A_473 = arith.constant 96 : index
      %swap3A_474 = tpu.vector_load %arg6[%swap3A_472, %swap3A_473] {strides = array<i32>} : memref<800x128xi32, #tpu.memory_space<vmem>>, vector<1x16xi32>,
      %swap3A_475 = vector.shape_cast %swap3A_474 : vector<1x16xi32> to vector<16xi32>
      %swap3A_476 = vector.shape_cast %select_n3A_471 : vector<16xi32> to vector<1x16xi32>
      tpu.vector_store %arg6[%swap3A_472, %swap3A_473], %swap3A_476 {strides = array<i32>} : memref<800x128xi32, #tpu.memory_space<vmem>>, vector<1x16xi32>,
      %get3A_477 = arith.index_cast %add3A_371 : i32 to index
      %get3A_478 = arith.constant 112 : index
      %get3A_479 = tpu.vector_load %arg6[%get3A_477, %get3A_478] {strides = array<i32>} : memref<800x128xi32, #tpu.memory_space<vmem>>, vector<1x16xi32>,
      %get3A_480 = vector.shape_cast %get3A_479 : vector<1x16xi32> to vector<16xi32>
      %sub3A_481 = arith.subi %get3A_480, %add3A_52 : vector<16xi32>
      %bitcast3A_482 = vector.bitcast %sub3A_481 : vector<16xi32> to vector<16xi32>
      %lt3A_483 = arith.cmpi ult, %bitcast3A_482, %broadcast_in_dim3A_43 : vector<16xi32>
      %and3A_484 = arith.andi %sub3A_481, %broadcast_in_dim3A_47 : vector<16xi32>
      %add3A_485 = arith.addi %broadcast_in_dim3A_41, %and3A_484 : vector<16xi32>
      %select_n3A_486 = arith.select %lt3A_483, %sub3A_481, %add3A_485 : vector<16xi1>, vector<16xi32>
      %swap3A_487 = arith.index_cast %add3A_371 : i32 to index
      %swap3A_488 = arith.constant 112 : index
      %swap3A_489 = tpu.vector_load %arg6[%swap3A_487, %swap3A_488] {strides = array<i32>} : memref<800x128xi32, #tpu.memory_space<vmem>>, vector<1x16xi32>,
      %swap3A_490 = vector.shape_cast %swap3A_489 : vector<1x16xi32> to vector<16xi32>
      %swap3A_491 = vector.shape_cast %select_n3A_486 : vector<16xi32> to vector<1x16xi32>
      tpu.vector_store %arg6[%swap3A_487, %swap3A_488], %swap3A_491 {strides = array<i32>} : memref<800x128xi32, #tpu.memory_space<vmem>>, vector<1x16xi32>,
      %scan3A_492 = arith.constant 0 : i32
      scf.yield %scan3A_492 : i32
    }
    %scan3A_92 = arith.constant 400 : i32
    %barrier3A = arith.constant 0 : index
    tpu.barrier barrier_id(%barrier3A)
    %scan3A_93 = arith.constant 0 : i32
    %scan3A_94 = arith.constant 0 : i32
    %scan3A_95 = arith.constant 800 : i32
    %scan3A_96 = arith.addi %scan3A_94, %scan3A_95 : i32
    %scan3A_97 = arith.constant 1 : i32
    %scan3A_98 = scf.for %scan3A_247 = %scan3A_94 to %scan3A_96 step %scan3A_97 iter_args(%scan3A_248 = %scan3A_93) -> (i32)  : i32 {
      %dma_start3A_249 = arith.constant 0 : i32
      %dma_start3A_250 = tpu.memref_slice %arg6[%scan3A_247, %dma_start3A_249] : memref<800x128xi32, #tpu.memory_space<vmem>> -> memref<1x128xi32, #tpu.memory_space<vmem>>
      %dma_start3A_251 = tpu.memref_squeeze %dma_start3A_250 : memref<1x128xi32, #tpu.memory_space<vmem>> -> memref<128xi32, #tpu.memory_space<vmem>>
      %dma_start3A_252 = arith.constant 0 : i32
      %dma_start3A_253 = tpu.memref_slice %arg11[%dma_start3A_252] : memref<252048xf32, #tpu.memory_space<vmem_shared>> -> memref<252048xf32, #tpu.memory_space<vmem_shared>>
      tpu.enqueue_indirect_dma source(%arg7 : memref<128xf32, #tpu.memory_space<vmem>>) target(%dma_start3A_253 : memref<252048xf32, #tpu.memory_space<vmem_shared>>) offsets(%dma_start3A_251 : memref<128xi32, #tpu.memory_space<vmem>>) semaphore(%arg15 : memref<!tpu.dma_semaphore, #tpu.memory_space<semaphore_mem>>)
      %scan3A_254 = arith.constant 0 : i32
      scf.yield %scan3A_254 : i32
    }
    %scan3A_99 = arith.constant 800 : i32
    %scan3A_100 = arith.constant 0 : i32
    %scan3A_101 = arith.constant 0 : i32
    %scan3A_102 = arith.constant 800 : i32
    %scan3A_103 = arith.addi %scan3A_101, %scan3A_102 : i32
    %scan3A_104 = arith.constant 1 : i32
    %scan3A_105 = scf.for %scan3A_247 = %scan3A_101 to %scan3A_103 step %scan3A_104 iter_args(%scan3A_248 = %scan3A_100) -> (i32)  : i32 {
      %dma_wait3A_249 = arith.constant 0 : i32
      %dma_wait3A_250 = arith.constant 0 : i32
      %dma_wait3A_251 = tpu.memref_slice %arg6[%dma_wait3A_249, %dma_wait3A_250] : memref<800x128xi32, #tpu.memory_space<vmem>> -> memref<1x128xi32, #tpu.memory_space<vmem>>
      %dma_wait3A_252 = tpu.memref_squeeze %dma_wait3A_251 : memref<1x128xi32, #tpu.memory_space<vmem>> -> memref<128xi32, #tpu.memory_space<vmem>>
      %dma_wait3A_253 = arith.constant 0 : i32
      %dma_wait3A_254 = tpu.memref_slice %arg11[%dma_wait3A_253] : memref<252048xf32, #tpu.memory_space<vmem_shared>> -> memref<252048xf32, #tpu.memory_space<vmem_shared>>
      tpu.wait_indirect_dma semaphore(%arg15 : memref<!tpu.dma_semaphore, #tpu.memory_space<semaphore_mem>>) src(%arg7 : memref<128xf32, #tpu.memory_space<vmem>>) dst(%dma_wait3A_254 : memref<252048xf32, #tpu.memory_space<vmem_shared>>)
      %scan3A_255 = arith.constant 0 : i32
      scf.yield %scan3A_255 : i32
    }
    %scan3A_106 = arith.constant 800 : i32
    %barrier3A_107 = arith.constant 0 : index
    tpu.barrier barrier_id(%barrier3A_107)
    %dma_start3A_108 = arith.constant 0 : i32
    %dma_start3A_109 = arith.constant 0 : i32
    %dma_start3A_110 = tpu.memref_slice %arg3[%arg1, %dma_start3A_108, %dma_start3A_109] : memref<16x800x128xi32, #tpu.memory_space<hbm>> -> memref<1x800x128xi32, #tpu.memory_space<hbm>>
    %dma_start3A_111 = tpu.memref_squeeze %dma_start3A_110 : memref<1x800x128xi32, #tpu.memory_space<hbm>> -> memref<800x128xi32, #tpu.memory_space<hbm>>
    %dma_start3A_112 = arith.constant 0 : i32
    %dma_start3A_113 = arith.constant 0 : i32
    %dma_start3A_114 = tpu.memref_slice %arg3[%arg1, %dma_start3A_112, %dma_start3A_113] : memref<16x800x128xi32, #tpu.memory_space<hbm>> -> memref<1x800x128xi32, #tpu.memory_space<hbm>>
    %dma_start3A_115 = tpu.memref_squeeze %dma_start3A_114 : memref<1x800x128xi32, #tpu.memory_space<hbm>> -> memref<800x128xi32, #tpu.memory_space<hbm>>
    tpu.enqueue_dma source(%dma_start3A_115 : memref<800x128xi32, #tpu.memory_space<hbm>>) target(%arg6 : memref<800x128xi32, #tpu.memory_space<vmem>>) target_semaphore(%arg12 : memref<!tpu.dma_semaphore, #tpu.memory_space<semaphore_mem>>)
    %add3A_116 = arith.constant 0 : i32
    %add3A_117 = arith.addi %mul3A_40, %add3A_116 : i32
    "tpu.region"() ({
      %run_scoped3A = tpu.sem_alloc : memref<!tpu.dma_semaphore, #tpu.memory_space<semaphore_mem>>
      %dma_start3A_247 = tpu.memref_slice %arg11[%add3A_117] : memref<252048xf32, #tpu.memory_space<vmem_shared>> -> memref<5208xf32, #tpu.memory_space<vmem_shared>>
      %dma_start3A_248 = tpu.memref_slice %arg11[%add3A_117] : memref<252048xf32, #tpu.memory_space<vmem_shared>> -> memref<5208xf32, #tpu.memory_space<vmem_shared>>
      tpu.enqueue_dma source(%dma_start3A_248 : memref<5208xf32, #tpu.memory_space<vmem_shared>>) target(%arg9 : memref<5208xf32, #tpu.memory_space<vmem>>) target_semaphore(%run_scoped3A : memref<!tpu.dma_semaphore, #tpu.memory_space<semaphore_mem>>)
      %dma_wait3A_249 = tpu.memref_slice %arg11[%add3A_117] : memref<252048xf32, #tpu.memory_space<vmem_shared>> -> memref<5208xf32, #tpu.memory_space<vmem_shared>>
      %dma_wait3A_250 = tpu.memref_slice %arg11[%add3A_117] : memref<252048xf32, #tpu.memory_space<vmem_shared>> -> memref<5208xf32, #tpu.memory_space<vmem_shared>>
      tpu.wait_dma2 semaphore(%run_scoped3A : memref<!tpu.dma_semaphore, #tpu.memory_space<semaphore_mem>>) src(%dma_wait3A_250 : memref<5208xf32, #tpu.memory_space<vmem_shared>>) dst(%arg9 : memref<5208xf32, #tpu.memory_space<vmem>>)
      tpu.yield
    }) : () -> ()
    %add3A_118 = arith.addi %mul3A_50, %mul3A_40 : i32
    %add3A_119 = arith.constant 0 : i32
    %add3A_120 = arith.addi %add3A_118, %add3A_119 : i32
    %dma_start3A_121 = tpu.memref_slice %arg5[%add3A_120] : memref<1000000xf32, #tpu.memory_space<hbm>> -> memref<5208xf32, #tpu.memory_space<hbm>>
    %dma_start3A_122 = tpu.memref_slice %arg5[%add3A_120] : memref<1000000xf32, #tpu.memory_space<hbm>> -> memref<5208xf32, #tpu.memory_space<hbm>>
    tpu.enqueue_dma source(%arg9 : memref<5208xf32, #tpu.memory_space<vmem>>) target(%dma_start3A_122 : memref<5208xf32, #tpu.memory_space<hbm>>) target_semaphore(%arg13 : memref<!tpu.dma_semaphore, #tpu.memory_space<semaphore_mem>>)
    %add3A_123 = arith.constant 5208 : i32
    %add3A_124 = arith.addi %mul3A_40, %add3A_123 : i32
    "tpu.region"() ({
      %run_scoped3A = tpu.sem_alloc : memref<!tpu.dma_semaphore, #tpu.memory_space<semaphore_mem>>
      %dma_start3A_247 = tpu.memref_slice %arg11[%add3A_124] : memref<252048xf32, #tpu.memory_space<vmem_shared>> -> memref<5208xf32, #tpu.memory_space<vmem_shared>>
      %dma_start3A_248 = tpu.memref_slice %arg11[%add3A_124] : memref<252048xf32, #tpu.memory_space<vmem_shared>> -> memref<5208xf32, #tpu.memory_space<vmem_shared>>
      tpu.enqueue_dma source(%dma_start3A_248 : memref<5208xf32, #tpu.memory_space<vmem_shared>>) target(%arg10 : memref<5208xf32, #tpu.memory_space<vmem>>) target_semaphore(%run_scoped3A : memref<!tpu.dma_semaphore, #tpu.memory_space<semaphore_mem>>)
      %dma_wait3A_249 = tpu.memref_slice %arg11[%add3A_124] : memref<252048xf32, #tpu.memory_space<vmem_shared>> -> memref<5208xf32, #tpu.memory_space<vmem_shared>>
      %dma_wait3A_250 = tpu.memref_slice %arg11[%add3A_124] : memref<252048xf32, #tpu.memory_space<vmem_shared>> -> memref<5208xf32, #tpu.memory_space<vmem_shared>>
      tpu.wait_dma2 semaphore(%run_scoped3A : memref<!tpu.dma_semaphore, #tpu.memory_space<semaphore_mem>>) src(%dma_wait3A_250 : memref<5208xf32, #tpu.memory_space<vmem_shared>>) dst(%arg10 : memref<5208xf32, #tpu.memory_space<vmem>>)
      tpu.yield
    }) : () -> ()
    %add3A_125 = arith.addi %mul3A_50, %mul3A_40 : i32
    %add3A_126 = arith.constant 5208 : i32
    %add3A_127 = arith.addi %add3A_125, %add3A_126 : i32
    %dma_start3A_128 = tpu.memref_slice %arg5[%add3A_127] : memref<1000000xf32, #tpu.memory_space<hbm>> -> memref<5208xf32, #tpu.memory_space<hbm>>
    %dma_start3A_129 = tpu.memref_slice %arg5[%add3A_127] : memref<1000000xf32, #tpu.memory_space<hbm>> -> memref<5208xf32, #tpu.memory_space<hbm>>
    tpu.enqueue_dma source(%arg10 : memref<5208xf32, #tpu.memory_space<vmem>>) target(%dma_start3A_129 : memref<5208xf32, #tpu.memory_space<hbm>>) target_semaphore(%arg14 : memref<!tpu.dma_semaphore, #tpu.memory_space<semaphore_mem>>)
    %dma_wait3A_130 = tpu.memref_slice %arg5[%add3A_120] : memref<1000000xf32, #tpu.memory_space<hbm>> -> memref<5208xf32, #tpu.memory_space<hbm>>
    %dma_wait3A_131 = tpu.memref_slice %arg5[%add3A_120] : memref<1000000xf32, #tpu.memory_space<hbm>> -> memref<5208xf32, #tpu.memory_space<hbm>>
    tpu.wait_dma2 semaphore(%arg13 : memref<!tpu.dma_semaphore, #tpu.memory_space<semaphore_mem>>) src(%arg9 : memref<5208xf32, #tpu.memory_space<vmem>>) dst(%dma_wait3A_131 : memref<5208xf32, #tpu.memory_space<hbm>>)
    %add3A_132 = arith.constant 10416 : i32
    %add3A_133 = arith.addi %mul3A_40, %add3A_132 : i32
    "tpu.region"() ({
      %run_scoped3A = tpu.sem_alloc : memref<!tpu.dma_semaphore, #tpu.memory_space<semaphore_mem>>
      %dma_start3A_247 = tpu.memref_slice %arg11[%add3A_133] : memref<252048xf32, #tpu.memory_space<vmem_shared>> -> memref<5208xf32, #tpu.memory_space<vmem_shared>>
      %dma_start3A_248 = tpu.memref_slice %arg11[%add3A_133] : memref<252048xf32, #tpu.memory_space<vmem_shared>> -> memref<5208xf32, #tpu.memory_space<vmem_shared>>
      tpu.enqueue_dma source(%dma_start3A_248 : memref<5208xf32, #tpu.memory_space<vmem_shared>>) target(%arg9 : memref<5208xf32, #tpu.memory_space<vmem>>) target_semaphore(%run_scoped3A : memref<!tpu.dma_semaphore, #tpu.memory_space<semaphore_mem>>)
      %dma_wait3A_249 = tpu.memref_slice %arg11[%add3A_133] : memref<252048xf32, #tpu.memory_space<vmem_shared>> -> memref<5208xf32, #tpu.memory_space<vmem_shared>>
      %dma_wait3A_250 = tpu.memref_slice %arg11[%add3A_133] : memref<252048xf32, #tpu.memory_space<vmem_shared>> -> memref<5208xf32, #tpu.memory_space<vmem_shared>>
      tpu.wait_dma2 semaphore(%run_scoped3A : memref<!tpu.dma_semaphore, #tpu.memory_space<semaphore_mem>>) src(%dma_wait3A_250 : memref<5208xf32, #tpu.memory_space<vmem_shared>>) dst(%arg9 : memref<5208xf32, #tpu.memory_space<vmem>>)
      tpu.yield
    }) : () -> ()
    %add3A_134 = arith.addi %mul3A_50, %mul3A_40 : i32
    %add3A_135 = arith.constant 10416 : i32
    %add3A_136 = arith.addi %add3A_134, %add3A_135 : i32
    %dma_start3A_137 = tpu.memref_slice %arg5[%add3A_136] : memref<1000000xf32, #tpu.memory_space<hbm>> -> memref<5208xf32, #tpu.memory_space<hbm>>
    %dma_start3A_138 = tpu.memref_slice %arg5[%add3A_136] : memref<1000000xf32, #tpu.memory_space<hbm>> -> memref<5208xf32, #tpu.memory_space<hbm>>
    tpu.enqueue_dma source(%arg9 : memref<5208xf32, #tpu.memory_space<vmem>>) target(%dma_start3A_138 : memref<5208xf32, #tpu.memory_space<hbm>>) target_semaphore(%arg13 : memref<!tpu.dma_semaphore, #tpu.memory_space<semaphore_mem>>)
    %dma_wait3A_139 = tpu.memref_slice %arg5[%add3A_136] : memref<1000000xf32, #tpu.memory_space<hbm>> -> memref<5208xf32, #tpu.memory_space<hbm>>
    %dma_wait3A_140 = tpu.memref_slice %arg5[%add3A_136] : memref<1000000xf32, #tpu.memory_space<hbm>> -> memref<5208xf32, #tpu.memory_space<hbm>>
    tpu.wait_dma2 semaphore(%arg13 : memref<!tpu.dma_semaphore, #tpu.memory_space<semaphore_mem>>) src(%arg9 : memref<5208xf32, #tpu.memory_space<vmem>>) dst(%dma_wait3A_140 : memref<5208xf32, #tpu.memory_space<hbm>>)
    %dma_wait3A_141 = tpu.memref_slice %arg5[%add3A_127] : memref<1000000xf32, #tpu.memory_space<hbm>> -> memref<5208xf32, #tpu.memory_space<hbm>>
    %dma_wait3A_142 = tpu.memref_slice %arg5[%add3A_127] : memref<1000000xf32, #tpu.memory_space<hbm>> -> memref<5208xf32, #tpu.memory_space<hbm>>
    tpu.wait_dma2 semaphore(%arg14 : memref<!tpu.dma_semaphore, #tpu.memory_space<semaphore_mem>>) src(%arg10 : memref<5208xf32, #tpu.memory_space<vmem>>) dst(%dma_wait3A_142 : memref<5208xf32, #tpu.memory_space<hbm>>)
    %eq3A_143 = arith.constant 15 : i32
    %eq3A_144 = arith.cmpi eq, %arg1, %eq3A_143 : i32
    %convert_element_type3A_145 = arith.extui %eq3A_144 : i1 to i32
    %cond3A_146 = arith.constant 0 : i32
    %cond3A_147 = arith.cmpi ne, %convert_element_type3A_145, %cond3A_146 : i32
    scf.if %cond3A_147 {
      "tpu.region"() ({
        %run_scoped3A = tpu.sem_alloc : memref<!tpu.dma_semaphore, #tpu.memory_space<semaphore_mem>>
        %dma_start3A_249 = arith.constant 0 : i32
        %dma_start3A_250 = tpu.memref_slice %arg9[%dma_start3A_249] : memref<5208xf32, #tpu.memory_space<vmem>> -> memref<16xf32, #tpu.memory_space<vmem>>
        %dma_start3A_251 = arith.constant 249984 : i32
        %dma_start3A_252 = tpu.memref_slice %arg11[%dma_start3A_251] : memref<252048xf32, #tpu.memory_space<vmem_shared>> -> memref<16xf32, #tpu.memory_space<vmem_shared>>
        %dma_start3A_253 = arith.constant 0 : i32
        %dma_start3A_254 = tpu.memref_slice %arg9[%dma_start3A_253] : memref<5208xf32, #tpu.memory_space<vmem>> -> memref<16xf32, #tpu.memory_space<vmem>>
        %dma_start3A_255 = arith.constant 249984 : i32
        %dma_start3A_256 = tpu.memref_slice %arg11[%dma_start3A_255] : memref<252048xf32, #tpu.memory_space<vmem_shared>> -> memref<16xf32, #tpu.memory_space<vmem_shared>>
        tpu.enqueue_dma source(%dma_start3A_256 : memref<16xf32, #tpu.memory_space<vmem_shared>>) target(%dma_start3A_254 : memref<16xf32, #tpu.memory_space<vmem>>) target_semaphore(%run_scoped3A : memref<!tpu.dma_semaphore, #tpu.memory_space<semaphore_mem>>)
        %dma_wait3A_257 = arith.constant 0 : i32
        %dma_wait3A_258 = tpu.memref_slice %arg9[%dma_wait3A_257] : memref<5208xf32, #tpu.memory_space<vmem>> -> memref<16xf32, #tpu.memory_space<vmem>>
        %dma_wait3A_259 = arith.constant 249984 : i32
        %dma_wait3A_260 = tpu.memref_slice %arg11[%dma_wait3A_259] : memref<252048xf32, #tpu.memory_space<vmem_shared>> -> memref<16xf32, #tpu.memory_space<vmem_shared>>
        %dma_wait3A_261 = arith.constant 0 : i32
        %dma_wait3A_262 = tpu.memref_slice %arg9[%dma_wait3A_261] : memref<5208xf32, #tpu.memory_space<vmem>> -> memref<16xf32, #tpu.memory_space<vmem>>
        %dma_wait3A_263 = arith.constant 249984 : i32
        %dma_wait3A_264 = tpu.memref_slice %arg11[%dma_wait3A_263] : memref<252048xf32, #tpu.memory_space<vmem_shared>> -> memref<16xf32, #tpu.memory_space<vmem_shared>>
        tpu.wait_dma2 semaphore(%run_scoped3A : memref<!tpu.dma_semaphore, #tpu.memory_space<semaphore_mem>>) src(%dma_wait3A_264 : memref<16xf32, #tpu.memory_space<vmem_shared>>) dst(%dma_wait3A_262 : memref<16xf32, #tpu.memory_space<vmem>>)
        tpu.yield
      }) : () -> ()
      %add3A_247 = arith.constant 249984 : i32
      %add3A_248 = arith.addi %mul3A_50, %add3A_247 : i32
      "tpu.region"() ({
        %run_scoped3A = tpu.sem_alloc : memref<!tpu.dma_semaphore, #tpu.memory_space<semaphore_mem>>
        %dma_start3A_249 = arith.constant 0 : i32
        %dma_start3A_250 = tpu.memref_slice %arg9[%dma_start3A_249] : memref<5208xf32, #tpu.memory_space<vmem>> -> memref<16xf32, #tpu.memory_space<vmem>>
        %dma_start3A_251 = tpu.memref_slice %arg5[%add3A_248] : memref<1000000xf32, #tpu.memory_space<hbm>> -> memref<16xf32, #tpu.memory_space<hbm>>
        %dma_start3A_252 = tpu.memref_slice %arg5[%add3A_248] : memref<1000000xf32, #tpu.memory_space<hbm>> -> memref<16xf32, #tpu.memory_space<hbm>>
        %dma_start3A_253 = arith.constant 0 : i32
        %dma_start3A_254 = tpu.memref_slice %arg9[%dma_start3A_253] : memref<5208xf32, #tpu.memory_space<vmem>> -> memref<16xf32, #tpu.memory_space<vmem>>
        tpu.enqueue_dma source(%dma_start3A_254 : memref<16xf32, #tpu.memory_space<vmem>>) target(%dma_start3A_252 : memref<16xf32, #tpu.memory_space<hbm>>) target_semaphore(%run_scoped3A : memref<!tpu.dma_semaphore, #tpu.memory_space<semaphore_mem>>)
        %dma_wait3A_255 = arith.constant 0 : i32
        %dma_wait3A_256 = tpu.memref_slice %arg9[%dma_wait3A_255] : memref<5208xf32, #tpu.memory_space<vmem>> -> memref<16xf32, #tpu.memory_space<vmem>>
        %dma_wait3A_257 = tpu.memref_slice %arg5[%add3A_248] : memref<1000000xf32, #tpu.memory_space<hbm>> -> memref<16xf32, #tpu.memory_space<hbm>>
        %dma_wait3A_258 = tpu.memref_slice %arg5[%add3A_248] : memref<1000000xf32, #tpu.memory_space<hbm>> -> memref<16xf32, #tpu.memory_space<hbm>>
        %dma_wait3A_259 = arith.constant 0 : i32
        %dma_wait3A_260 = tpu.memref_slice %arg9[%dma_wait3A_259] : memref<5208xf32, #tpu.memory_space<vmem>> -> memref<16xf32, #tpu.memory_space<vmem>>
        tpu.wait_dma2 semaphore(%run_scoped3A : memref<!tpu.dma_semaphore, #tpu.memory_space<semaphore_mem>>) src(%dma_wait3A_260 : memref<16xf32, #tpu.memory_space<vmem>>) dst(%dma_wait3A_258 : memref<16xf32, #tpu.memory_space<hbm>>)
        tpu.yield
      }) : () -> ()
    } else {
    }
    %add3A_148 = arith.constant 2 : i32
    %add3A_149 = arith.addi %arg0, %add3A_148 : i32
    %mul3A_150 = arith.constant 250000 : i32
    %mul3A_151 = arith.muli %add3A_149, %mul3A_150 : i32
    %add3A_152 = vector.broadcast %mul3A_151 : i32 to vector<16xi32>
    %add3A_153 = arith.addi %broadcast_in_dim3A_45, %add3A_152 : vector<16xi32>
    %add3A_154 = arith.addi %mul3A_151, %mul3A_40 : i32
    %dma_start3A_155 = tpu.memref_slice %arg2[%add3A_154] : memref<1000000xf32, #tpu.memory_space<hbm>> -> memref<5208xf32, #tpu.memory_space<hbm>>
    %dma_start3A_156 = tpu.memref_slice %arg2[%add3A_154] : memref<1000000xf32, #tpu.memory_space<hbm>> -> memref<5208xf32, #tpu.memory_space<hbm>>
    tpu.enqueue_dma source(%dma_start3A_156 : memref<5208xf32, #tpu.memory_space<hbm>>) target(%arg9 : memref<5208xf32, #tpu.memory_space<vmem>>) target_semaphore(%arg13 : memref<!tpu.dma_semaphore, #tpu.memory_space<semaphore_mem>>)
    %add3A_157 = arith.addi %mul3A_151, %mul3A_40 : i32
    %add3A_158 = arith.constant 5208 : i32
    %add3A_159 = arith.addi %add3A_157, %add3A_158 : i32
    %dma_start3A_160 = tpu.memref_slice %arg2[%add3A_159] : memref<1000000xf32, #tpu.memory_space<hbm>> -> memref<5208xf32, #tpu.memory_space<hbm>>
    %dma_start3A_161 = tpu.memref_slice %arg2[%add3A_159] : memref<1000000xf32, #tpu.memory_space<hbm>> -> memref<5208xf32, #tpu.memory_space<hbm>>
    tpu.enqueue_dma source(%dma_start3A_161 : memref<5208xf32, #tpu.memory_space<hbm>>) target(%arg10 : memref<5208xf32, #tpu.memory_space<vmem>>) target_semaphore(%arg14 : memref<!tpu.dma_semaphore, #tpu.memory_space<semaphore_mem>>)
    %dma_wait3A_162 = tpu.memref_slice %arg2[%add3A_154] : memref<1000000xf32, #tpu.memory_space<hbm>> -> memref<5208xf32, #tpu.memory_space<hbm>>
    %dma_wait3A_163 = tpu.memref_slice %arg2[%add3A_154] : memref<1000000xf32, #tpu.memory_space<hbm>> -> memref<5208xf32, #tpu.memory_space<hbm>>
    tpu.wait_dma2 semaphore(%arg13 : memref<!tpu.dma_semaphore, #tpu.memory_space<semaphore_mem>>) src(%dma_wait3A_163 : memref<5208xf32, #tpu.memory_space<hbm>>) dst(%arg9 : memref<5208xf32, #tpu.memory_space<vmem>>)
    %add3A_164 = arith.constant 0 : i32
    %add3A_165 = arith.addi %mul3A_40, %add3A_164 : i32
    "tpu.region"() ({
      %run_scoped3A = tpu.sem_alloc : memref<!tpu.dma_semaphore, #tpu.memory_space<semaphore_mem>>
      %dma_start3A_247 = tpu.memref_slice %arg11[%add3A_165] : memref<252048xf32, #tpu.memory_space<vmem_shared>> -> memref<5208xf32, #tpu.memory_space<vmem_shared>>
      %dma_start3A_248 = tpu.memref_slice %arg11[%add3A_165] : memref<252048xf32, #tpu.memory_space<vmem_shared>> -> memref<5208xf32, #tpu.memory_space<vmem_shared>>
      tpu.enqueue_dma source(%arg9 : memref<5208xf32, #tpu.memory_space<vmem>>) target(%dma_start3A_248 : memref<5208xf32, #tpu.memory_space<vmem_shared>>) target_semaphore(%run_scoped3A : memref<!tpu.dma_semaphore, #tpu.memory_space<semaphore_mem>>)
      %dma_wait3A_249 = tpu.memref_slice %arg11[%add3A_165] : memref<252048xf32, #tpu.memory_space<vmem_shared>> -> memref<5208xf32, #tpu.memory_space<vmem_shared>>
      %dma_wait3A_250 = tpu.memref_slice %arg11[%add3A_165] : memref<252048xf32, #tpu.memory_space<vmem_shared>> -> memref<5208xf32, #tpu.memory_space<vmem_shared>>
      tpu.wait_dma2 semaphore(%run_scoped3A : memref<!tpu.dma_semaphore, #tpu.memory_space<semaphore_mem>>) src(%arg9 : memref<5208xf32, #tpu.memory_space<vmem>>) dst(%dma_wait3A_250 : memref<5208xf32, #tpu.memory_space<vmem_shared>>)
      tpu.yield
    }) : () -> ()
    %add3A_166 = arith.addi %mul3A_151, %mul3A_40 : i32
    %add3A_167 = arith.constant 10416 : i32
    %add3A_168 = arith.addi %add3A_166, %add3A_167 : i32
    %dma_start3A_169 = tpu.memref_slice %arg2[%add3A_168] : memref<1000000xf32, #tpu.memory_space<hbm>> -> memref<5208xf32, #tpu.memory_space<hbm>>
    %dma_start3A_170 = tpu.memref_slice %arg2[%add3A_168] : memref<1000000xf32, #tpu.memory_space<hbm>> -> memref<5208xf32, #tpu.memory_space<hbm>>
    tpu.enqueue_dma source(%dma_start3A_170 : memref<5208xf32, #tpu.memory_space<hbm>>) target(%arg9 : memref<5208xf32, #tpu.memory_space<vmem>>) target_semaphore(%arg13 : memref<!tpu.dma_semaphore, #tpu.memory_space<semaphore_mem>>)
    %dma_wait3A_171 = tpu.memref_slice %arg2[%add3A_159] : memref<1000000xf32, #tpu.memory_space<hbm>> -> memref<5208xf32, #tpu.memory_space<hbm>>
    %dma_wait3A_172 = tpu.memref_slice %arg2[%add3A_159] : memref<1000000xf32, #tpu.memory_space<hbm>> -> memref<5208xf32, #tpu.memory_space<hbm>>
    tpu.wait_dma2 semaphore(%arg14 : memref<!tpu.dma_semaphore, #tpu.memory_space<semaphore_mem>>) src(%dma_wait3A_172 : memref<5208xf32, #tpu.memory_space<hbm>>) dst(%arg10 : memref<5208xf32, #tpu.memory_space<vmem>>)
    %add3A_173 = arith.constant 5208 : i32
    %add3A_174 = arith.addi %mul3A_40, %add3A_173 : i32
    "tpu.region"() ({
      %run_scoped3A = tpu.sem_alloc : memref<!tpu.dma_semaphore, #tpu.memory_space<semaphore_mem>>
      %dma_start3A_247 = tpu.memref_slice %arg11[%add3A_174] : memref<252048xf32, #tpu.memory_space<vmem_shared>> -> memref<5208xf32, #tpu.memory_space<vmem_shared>>
      %dma_start3A_248 = tpu.memref_slice %arg11[%add3A_174] : memref<252048xf32, #tpu.memory_space<vmem_shared>> -> memref<5208xf32, #tpu.memory_space<vmem_shared>>
      tpu.enqueue_dma source(%arg10 : memref<5208xf32, #tpu.memory_space<vmem>>) target(%dma_start3A_248 : memref<5208xf32, #tpu.memory_space<vmem_shared>>) target_semaphore(%run_scoped3A : memref<!tpu.dma_semaphore, #tpu.memory_space<semaphore_mem>>)
      %dma_wait3A_249 = tpu.memref_slice %arg11[%add3A_174] : memref<252048xf32, #tpu.memory_space<vmem_shared>> -> memref<5208xf32, #tpu.memory_space<vmem_shared>>
      %dma_wait3A_250 = tpu.memref_slice %arg11[%add3A_174] : memref<252048xf32, #tpu.memory_space<vmem_shared>> -> memref<5208xf32, #tpu.memory_space<vmem_shared>>
      tpu.wait_dma2 semaphore(%run_scoped3A : memref<!tpu.dma_semaphore, #tpu.memory_space<semaphore_mem>>) src(%arg10 : memref<5208xf32, #tpu.memory_space<vmem>>) dst(%dma_wait3A_250 : memref<5208xf32, #tpu.memory_space<vmem_shared>>)
      tpu.yield
    }) : () -> ()
    %dma_wait3A_175 = tpu.memref_slice %arg2[%add3A_168] : memref<1000000xf32, #tpu.memory_space<hbm>> -> memref<5208xf32, #tpu.memory_space<hbm>>
    %dma_wait3A_176 = tpu.memref_slice %arg2[%add3A_168] : memref<1000000xf32, #tpu.memory_space<hbm>> -> memref<5208xf32, #tpu.memory_space<hbm>>
    tpu.wait_dma2 semaphore(%arg13 : memref<!tpu.dma_semaphore, #tpu.memory_space<semaphore_mem>>) src(%dma_wait3A_176 : memref<5208xf32, #tpu.memory_space<hbm>>) dst(%arg9 : memref<5208xf32, #tpu.memory_space<vmem>>)
    %add3A_177 = arith.constant 10416 : i32
    %add3A_178 = arith.addi %mul3A_40, %add3A_177 : i32
    "tpu.region"() ({
      %run_scoped3A = tpu.sem_alloc : memref<!tpu.dma_semaphore, #tpu.memory_space<semaphore_mem>>
      %dma_start3A_247 = tpu.memref_slice %arg11[%add3A_178] : memref<252048xf32, #tpu.memory_space<vmem_shared>> -> memref<5208xf32, #tpu.memory_space<vmem_shared>>
      %dma_start3A_248 = tpu.memref_slice %arg11[%add3A_178] : memref<252048xf32, #tpu.memory_space<vmem_shared>> -> memref<5208xf32, #tpu.memory_space<vmem_shared>>
      tpu.enqueue_dma source(%arg9 : memref<5208xf32, #tpu.memory_space<vmem>>) target(%dma_start3A_248 : memref<5208xf32, #tpu.memory_space<vmem_shared>>) target_semaphore(%run_scoped3A : memref<!tpu.dma_semaphore, #tpu.memory_space<semaphore_mem>>)
      %dma_wait3A_249 = tpu.memref_slice %arg11[%add3A_178] : memref<252048xf32, #tpu.memory_space<vmem_shared>> -> memref<5208xf32, #tpu.memory_space<vmem_shared>>
      %dma_wait3A_250 = tpu.memref_slice %arg11[%add3A_178] : memref<252048xf32, #tpu.memory_space<vmem_shared>> -> memref<5208xf32, #tpu.memory_space<vmem_shared>>
      tpu.wait_dma2 semaphore(%run_scoped3A : memref<!tpu.dma_semaphore, #tpu.memory_space<semaphore_mem>>) src(%arg9 : memref<5208xf32, #tpu.memory_space<vmem>>) dst(%dma_wait3A_250 : memref<5208xf32, #tpu.memory_space<vmem_shared>>)
      tpu.yield
    }) : () -> ()
    %eq3A_179 = arith.constant 15 : i32
    %eq3A_180 = arith.cmpi eq, %arg1, %eq3A_179 : i32
    %convert_element_type3A_181 = arith.extui %eq3A_180 : i1 to i32
    %cond3A_182 = arith.constant 0 : i32
    %cond3A_183 = arith.cmpi ne, %convert_element_type3A_181, %cond3A_182 : i32
    scf.if %cond3A_183 {
      %add3A_247 = arith.constant 249984 : i32
      %add3A_248 = arith.addi %mul3A_151, %add3A_247 : i32
      "tpu.region"() ({
        %run_scoped3A = tpu.sem_alloc : memref<!tpu.dma_semaphore, #tpu.memory_space<semaphore_mem>>
        %dma_start3A_249 = arith.constant 0 : i32
        %dma_start3A_250 = tpu.memref_slice %arg9[%dma_start3A_249] : memref<5208xf32, #tpu.memory_space<vmem>> -> memref<16xf32, #tpu.memory_space<vmem>>
        %dma_start3A_251 = tpu.memref_slice %arg2[%add3A_248] : memref<1000000xf32, #tpu.memory_space<hbm>> -> memref<16xf32, #tpu.memory_space<hbm>>
        %dma_start3A_252 = arith.constant 0 : i32
        %dma_start3A_253 = tpu.memref_slice %arg9[%dma_start3A_252] : memref<5208xf32, #tpu.memory_space<vmem>> -> memref<16xf32, #tpu.memory_space<vmem>>
        %dma_start3A_254 = tpu.memref_slice %arg2[%add3A_248] : memref<1000000xf32, #tpu.memory_space<hbm>> -> memref<16xf32, #tpu.memory_space<hbm>>
        tpu.enqueue_dma source(%dma_start3A_254 : memref<16xf32, #tpu.memory_space<hbm>>) target(%dma_start3A_253 : memref<16xf32, #tpu.memory_space<vmem>>) target_semaphore(%run_scoped3A : memref<!tpu.dma_semaphore, #tpu.memory_space<semaphore_mem>>)
        %dma_wait3A_255 = arith.constant 0 : i32
        %dma_wait3A_256 = tpu.memref_slice %arg9[%dma_wait3A_255] : memref<5208xf32, #tpu.memory_space<vmem>> -> memref<16xf32, #tpu.memory_space<vmem>>
        %dma_wait3A_257 = tpu.memref_slice %arg2[%add3A_248] : memref<1000000xf32, #tpu.memory_space<hbm>> -> memref<16xf32, #tpu.memory_space<hbm>>
        %dma_wait3A_258 = arith.constant 0 : i32
        %dma_wait3A_259 = tpu.memref_slice %arg9[%dma_wait3A_258] : memref<5208xf32, #tpu.memory_space<vmem>> -> memref<16xf32, #tpu.memory_space<vmem>>
        %dma_wait3A_260 = tpu.memref_slice %arg2[%add3A_248] : memref<1000000xf32, #tpu.memory_space<hbm>> -> memref<16xf32, #tpu.memory_space<hbm>>
        tpu.wait_dma2 semaphore(%run_scoped3A : memref<!tpu.dma_semaphore, #tpu.memory_space<semaphore_mem>>) src(%dma_wait3A_260 : memref<16xf32, #tpu.memory_space<hbm>>) dst(%dma_wait3A_259 : memref<16xf32, #tpu.memory_space<vmem>>)
        tpu.yield
      }) : () -> ()
      "tpu.region"() ({
        %run_scoped3A = tpu.sem_alloc : memref<!tpu.dma_semaphore, #tpu.memory_space<semaphore_mem>>
        %dma_start3A_249 = arith.constant 0 : i32
        %dma_start3A_250 = tpu.memref_slice %arg9[%dma_start3A_249] : memref<5208xf32, #tpu.memory_space<vmem>> -> memref<16xf32, #tpu.memory_space<vmem>>
        %dma_start3A_251 = arith.constant 249984 : i32
        %dma_start3A_252 = tpu.memref_slice %arg11[%dma_start3A_251] : memref<252048xf32, #tpu.memory_space<vmem_shared>> -> memref<16xf32, #tpu.memory_space<vmem_shared>>
        %dma_start3A_253 = arith.constant 249984 : i32
        %dma_start3A_254 = tpu.memref_slice %arg11[%dma_start3A_253] : memref<252048xf32, #tpu.memory_space<vmem_shared>> -> memref<16xf32, #tpu.memory_space<vmem_shared>>
        %dma_start3A_255 = arith.constant 0 : i32
        %dma_start3A_256 = tpu.memref_slice %arg9[%dma_start3A_255] : memref<5208xf32, #tpu.memory_space<vmem>> -> memref<16xf32, #tpu.memory_space<vmem>>
        tpu.enqueue_dma source(%dma_start3A_256 : memref<16xf32, #tpu.memory_space<vmem>>) target(%dma_start3A_254 : memref<16xf32, #tpu.memory_space<vmem_shared>>) target_semaphore(%run_scoped3A : memref<!tpu.dma_semaphore, #tpu.memory_space<semaphore_mem>>)
        %dma_wait3A_257 = arith.constant 0 : i32
        %dma_wait3A_258 = tpu.memref_slice %arg9[%dma_wait3A_257] : memref<5208xf32, #tpu.memory_space<vmem>> -> memref<16xf32, #tpu.memory_space<vmem>>
        %dma_wait3A_259 = arith.constant 249984 : i32
        %dma_wait3A_260 = tpu.memref_slice %arg11[%dma_wait3A_259] : memref<252048xf32, #tpu.memory_space<vmem_shared>> -> memref<16xf32, #tpu.memory_space<vmem_shared>>
        %dma_wait3A_261 = arith.constant 249984 : i32
        %dma_wait3A_262 = tpu.memref_slice %arg11[%dma_wait3A_261] : memref<252048xf32, #tpu.memory_space<vmem_shared>> -> memref<16xf32, #tpu.memory_space<vmem_shared>>
        %dma_wait3A_263 = arith.constant 0 : i32
        %dma_wait3A_264 = tpu.memref_slice %arg9[%dma_wait3A_263] : memref<5208xf32, #tpu.memory_space<vmem>> -> memref<16xf32, #tpu.memory_space<vmem>>
        tpu.wait_dma2 semaphore(%run_scoped3A : memref<!tpu.dma_semaphore, #tpu.memory_space<semaphore_mem>>) src(%dma_wait3A_264 : memref<16xf32, #tpu.memory_space<vmem>>) dst(%dma_wait3A_262 : memref<16xf32, #tpu.memory_space<vmem_shared>>)
        tpu.yield
      }) : () -> ()
    } else {
    }
    %dma_wait3A_184 = arith.constant 0 : i32
    %dma_wait3A_185 = arith.constant 0 : i32
    %dma_wait3A_186 = tpu.memref_slice %arg3[%arg1, %dma_wait3A_184, %dma_wait3A_185] : memref<16x800x128xi32, #tpu.memory_space<hbm>> -> memref<1x800x128xi32, #tpu.memory_space<hbm>>
    %dma_wait3A_187 = tpu.memref_squeeze %dma_wait3A_186 : memref<1x800x128xi32, #tpu.memory_space<hbm>> -> memref<800x128xi32, #tpu.memory_space<hbm>>
    %dma_wait3A_188 = arith.constant 0 : i32
    %dma_wait3A_189 = arith.constant 0 : i32
    %dma_wait3A_190 = tpu.memref_slice %arg3[%arg1, %dma_wait3A_188, %dma_wait3A_189] : memref<16x800x128xi32, #tpu.memory_space<hbm>> -> memref<1x800x128xi32, #tpu.memory_space<hbm>>
    %dma_wait3A_191 = tpu.memref_squeeze %dma_wait3A_190 : memref<1x800x128xi32, #tpu.memory_space<hbm>> -> memref<800x128xi32, #tpu.memory_space<hbm>>
    tpu.wait_dma2 semaphore(%arg12 : memref<!tpu.dma_semaphore, #tpu.memory_space<semaphore_mem>>) src(%dma_wait3A_191 : memref<800x128xi32, #tpu.memory_space<hbm>>) dst(%arg6 : memref<800x128xi32, #tpu.memory_space<vmem>>)
    %scan3A_192 = arith.constant 0 : i32
    %scan3A_193 = arith.constant 0 : i32
    %scan3A_194 = arith.constant 400 : i32
    %scan3A_195 = arith.addi %scan3A_193, %scan3A_194 : i32
    %scan3A_196 = arith.constant 1 : i32
    %scan3A_197 = scf.for %scan3A_247 = %scan3A_193 to %scan3A_195 step %scan3A_196 iter_args(%scan3A_248 = %scan3A_192) -> (i32)  : i32 {
      %mul3A_249 = arith.constant 2 : i32
      %mul3A_250 = arith.muli %scan3A_247, %mul3A_249 : i32
      %add3A_251 = arith.constant 0 : i32
      %add3A_252 = arith.addi %mul3A_250, %add3A_251 : i32
      %get3A_253 = arith.index_cast %add3A_252 : i32 to index
      %get3A_254 = arith.constant 0 : index
      %get3A_255 = tpu.vector_load %arg6[%get3A_253, %get3A_254] {strides = array<i32>} : memref<800x128xi32, #tpu.memory_space<vmem>>, vector<1x16xi32>,
      %get3A_256 = vector.shape_cast %get3A_255 : vector<1x16xi32> to vector<16xi32>
      %sub3A = arith.subi %get3A_256, %add3A_153 : vector<16xi32>
      %bitcast3A = vector.bitcast %sub3A : vector<16xi32> to vector<16xi32>
      %lt3A = arith.cmpi ult, %bitcast3A, %broadcast_in_dim3A_43 : vector<16xi32>
      %and3A = arith.andi %sub3A, %broadcast_in_dim3A_47 : vector<16xi32>
      %add3A_257 = arith.addi %broadcast_in_dim3A_41, %and3A : vector<16xi32>
      %select_n3A = arith.select %lt3A, %sub3A, %add3A_257 : vector<16xi1>, vector<16xi32>
      %swap3A_258 = arith.index_cast %add3A_252 : i32 to index
      %swap3A_259 = arith.constant 0 : index
      %swap3A_260 = tpu.vector_load %arg6[%swap3A_258, %swap3A_259] {strides = array<i32>} : memref<800x128xi32, #tpu.memory_space<vmem>>, vector<1x16xi32>,
      %swap3A_261 = vector.shape_cast %swap3A_260 : vector<1x16xi32> to vector<16xi32>
      %swap3A_262 = vector.shape_cast %select_n3A : vector<16xi32> to vector<1x16xi32>
      tpu.vector_store %arg6[%swap3A_258, %swap3A_259], %swap3A_262 {strides = array<i32>} : memref<800x128xi32, #tpu.memory_space<vmem>>, vector<1x16xi32>,
      %get3A_263 = arith.index_cast %add3A_252 : i32 to index
      %get3A_264 = arith.constant 16 : index
      %get3A_265 = tpu.vector_load %arg6[%get3A_263, %get3A_264] {strides = array<i32>} : memref<800x128xi32, #tpu.memory_space<vmem>>, vector<1x16xi32>,
      %get3A_266 = vector.shape_cast %get3A_265 : vector<1x16xi32> to vector<16xi32>
      %sub3A_267 = arith.subi %get3A_266, %add3A_153 : vector<16xi32>
      %bitcast3A_268 = vector.bitcast %sub3A_267 : vector<16xi32> to vector<16xi32>
      %lt3A_269 = arith.cmpi ult, %bitcast3A_268, %broadcast_in_dim3A_43 : vector<16xi32>
      %and3A_270 = arith.andi %sub3A_267, %broadcast_in_dim3A_47 : vector<16xi32>
      %add3A_271 = arith.addi %broadcast_in_dim3A_41, %and3A_270 : vector<16xi32>
      %select_n3A_272 = arith.select %lt3A_269, %sub3A_267, %add3A_271 : vector<16xi1>, vector<16xi32>
      %swap3A_273 = arith.index_cast %add3A_252 : i32 to index
      %swap3A_274 = arith.constant 16 : index
      %swap3A_275 = tpu.vector_load %arg6[%swap3A_273, %swap3A_274] {strides = array<i32>} : memref<800x128xi32, #tpu.memory_space<vmem>>, vector<1x16xi32>,
      %swap3A_276 = vector.shape_cast %swap3A_275 : vector<1x16xi32> to vector<16xi32>
      %swap3A_277 = vector.shape_cast %select_n3A_272 : vector<16xi32> to vector<1x16xi32>
      tpu.vector_store %arg6[%swap3A_273, %swap3A_274], %swap3A_277 {strides = array<i32>} : memref<800x128xi32, #tpu.memory_space<vmem>>, vector<1x16xi32>,
      %get3A_278 = arith.index_cast %add3A_252 : i32 to index
      %get3A_279 = arith.constant 32 : index
      %get3A_280 = tpu.vector_load %arg6[%get3A_278, %get3A_279] {strides = array<i32>} : memref<800x128xi32, #tpu.memory_space<vmem>>, vector<1x16xi32>,
      %get3A_281 = vector.shape_cast %get3A_280 : vector<1x16xi32> to vector<16xi32>
      %sub3A_282 = arith.subi %get3A_281, %add3A_153 : vector<16xi32>
      %bitcast3A_283 = vector.bitcast %sub3A_282 : vector<16xi32> to vector<16xi32>
      %lt3A_284 = arith.cmpi ult, %bitcast3A_283, %broadcast_in_dim3A_43 : vector<16xi32>
      %and3A_285 = arith.andi %sub3A_282, %broadcast_in_dim3A_47 : vector<16xi32>
      %add3A_286 = arith.addi %broadcast_in_dim3A_41, %and3A_285 : vector<16xi32>
      %select_n3A_287 = arith.select %lt3A_284, %sub3A_282, %add3A_286 : vector<16xi1>, vector<16xi32>
      %swap3A_288 = arith.index_cast %add3A_252 : i32 to index
      %swap3A_289 = arith.constant 32 : index
      %swap3A_290 = tpu.vector_load %arg6[%swap3A_288, %swap3A_289] {strides = array<i32>} : memref<800x128xi32, #tpu.memory_space<vmem>>, vector<1x16xi32>,
      %swap3A_291 = vector.shape_cast %swap3A_290 : vector<1x16xi32> to vector<16xi32>
      %swap3A_292 = vector.shape_cast %select_n3A_287 : vector<16xi32> to vector<1x16xi32>
      tpu.vector_store %arg6[%swap3A_288, %swap3A_289], %swap3A_292 {strides = array<i32>} : memref<800x128xi32, #tpu.memory_space<vmem>>, vector<1x16xi32>,
      %get3A_293 = arith.index_cast %add3A_252 : i32 to index
      %get3A_294 = arith.constant 48 : index
      %get3A_295 = tpu.vector_load %arg6[%get3A_293, %get3A_294] {strides = array<i32>} : memref<800x128xi32, #tpu.memory_space<vmem>>, vector<1x16xi32>,
      %get3A_296 = vector.shape_cast %get3A_295 : vector<1x16xi32> to vector<16xi32>
      %sub3A_297 = arith.subi %get3A_296, %add3A_153 : vector<16xi32>
      %bitcast3A_298 = vector.bitcast %sub3A_297 : vector<16xi32> to vector<16xi32>
      %lt3A_299 = arith.cmpi ult, %bitcast3A_298, %broadcast_in_dim3A_43 : vector<16xi32>
      %and3A_300 = arith.andi %sub3A_297, %broadcast_in_dim3A_47 : vector<16xi32>
      %add3A_301 = arith.addi %broadcast_in_dim3A_41, %and3A_300 : vector<16xi32>
      %select_n3A_302 = arith.select %lt3A_299, %sub3A_297, %add3A_301 : vector<16xi1>, vector<16xi32>
      %swap3A_303 = arith.index_cast %add3A_252 : i32 to index
      %swap3A_304 = arith.constant 48 : index
      %swap3A_305 = tpu.vector_load %arg6[%swap3A_303, %swap3A_304] {strides = array<i32>} : memref<800x128xi32, #tpu.memory_space<vmem>>, vector<1x16xi32>,
      %swap3A_306 = vector.shape_cast %swap3A_305 : vector<1x16xi32> to vector<16xi32>
      %swap3A_307 = vector.shape_cast %select_n3A_302 : vector<16xi32> to vector<1x16xi32>
      tpu.vector_store %arg6[%swap3A_303, %swap3A_304], %swap3A_307 {strides = array<i32>} : memref<800x128xi32, #tpu.memory_space<vmem>>, vector<1x16xi32>,
      %get3A_308 = arith.index_cast %add3A_252 : i32 to index
      %get3A_309 = arith.constant 64 : index
      %get3A_310 = tpu.vector_load %arg6[%get3A_308, %get3A_309] {strides = array<i32>} : memref<800x128xi32, #tpu.memory_space<vmem>>, vector<1x16xi32>,
      %get3A_311 = vector.shape_cast %get3A_310 : vector<1x16xi32> to vector<16xi32>
      %sub3A_312 = arith.subi %get3A_311, %add3A_153 : vector<16xi32>
      %bitcast3A_313 = vector.bitcast %sub3A_312 : vector<16xi32> to vector<16xi32>
      %lt3A_314 = arith.cmpi ult, %bitcast3A_313, %broadcast_in_dim3A_43 : vector<16xi32>
      %and3A_315 = arith.andi %sub3A_312, %broadcast_in_dim3A_47 : vector<16xi32>
      %add3A_316 = arith.addi %broadcast_in_dim3A_41, %and3A_315 : vector<16xi32>
      %select_n3A_317 = arith.select %lt3A_314, %sub3A_312, %add3A_316 : vector<16xi1>, vector<16xi32>
      %swap3A_318 = arith.index_cast %add3A_252 : i32 to index
      %swap3A_319 = arith.constant 64 : index
      %swap3A_320 = tpu.vector_load %arg6[%swap3A_318, %swap3A_319] {strides = array<i32>} : memref<800x128xi32, #tpu.memory_space<vmem>>, vector<1x16xi32>,
      %swap3A_321 = vector.shape_cast %swap3A_320 : vector<1x16xi32> to vector<16xi32>
      %swap3A_322 = vector.shape_cast %select_n3A_317 : vector<16xi32> to vector<1x16xi32>
      tpu.vector_store %arg6[%swap3A_318, %swap3A_319], %swap3A_322 {strides = array<i32>} : memref<800x128xi32, #tpu.memory_space<vmem>>, vector<1x16xi32>,
      %get3A_323 = arith.index_cast %add3A_252 : i32 to index
      %get3A_324 = arith.constant 80 : index
      %get3A_325 = tpu.vector_load %arg6[%get3A_323, %get3A_324] {strides = array<i32>} : memref<800x128xi32, #tpu.memory_space<vmem>>, vector<1x16xi32>,
      %get3A_326 = vector.shape_cast %get3A_325 : vector<1x16xi32> to vector<16xi32>
      %sub3A_327 = arith.subi %get3A_326, %add3A_153 : vector<16xi32>
      %bitcast3A_328 = vector.bitcast %sub3A_327 : vector<16xi32> to vector<16xi32>
      %lt3A_329 = arith.cmpi ult, %bitcast3A_328, %broadcast_in_dim3A_43 : vector<16xi32>
      %and3A_330 = arith.andi %sub3A_327, %broadcast_in_dim3A_47 : vector<16xi32>
      %add3A_331 = arith.addi %broadcast_in_dim3A_41, %and3A_330 : vector<16xi32>
      %select_n3A_332 = arith.select %lt3A_329, %sub3A_327, %add3A_331 : vector<16xi1>, vector<16xi32>
      %swap3A_333 = arith.index_cast %add3A_252 : i32 to index
      %swap3A_334 = arith.constant 80 : index
      %swap3A_335 = tpu.vector_load %arg6[%swap3A_333, %swap3A_334] {strides = array<i32>} : memref<800x128xi32, #tpu.memory_space<vmem>>, vector<1x16xi32>,
      %swap3A_336 = vector.shape_cast %swap3A_335 : vector<1x16xi32> to vector<16xi32>
      %swap3A_337 = vector.shape_cast %select_n3A_332 : vector<16xi32> to vector<1x16xi32>
      tpu.vector_store %arg6[%swap3A_333, %swap3A_334], %swap3A_337 {strides = array<i32>} : memref<800x128xi32, #tpu.memory_space<vmem>>, vector<1x16xi32>,
      %get3A_338 = arith.index_cast %add3A_252 : i32 to index
      %get3A_339 = arith.constant 96 : index
      %get3A_340 = tpu.vector_load %arg6[%get3A_338, %get3A_339] {strides = array<i32>} : memref<800x128xi32, #tpu.memory_space<vmem>>, vector<1x16xi32>,
      %get3A_341 = vector.shape_cast %get3A_340 : vector<1x16xi32> to vector<16xi32>
      %sub3A_342 = arith.subi %get3A_341, %add3A_153 : vector<16xi32>
      %bitcast3A_343 = vector.bitcast %sub3A_342 : vector<16xi32> to vector<16xi32>
      %lt3A_344 = arith.cmpi ult, %bitcast3A_343, %broadcast_in_dim3A_43 : vector<16xi32>
      %and3A_345 = arith.andi %sub3A_342, %broadcast_in_dim3A_47 : vector<16xi32>
      %add3A_346 = arith.addi %broadcast_in_dim3A_41, %and3A_345 : vector<16xi32>
      %select_n3A_347 = arith.select %lt3A_344, %sub3A_342, %add3A_346 : vector<16xi1>, vector<16xi32>
      %swap3A_348 = arith.index_cast %add3A_252 : i32 to index
      %swap3A_349 = arith.constant 96 : index
      %swap3A_350 = tpu.vector_load %arg6[%swap3A_348, %swap3A_349] {strides = array<i32>} : memref<800x128xi32, #tpu.memory_space<vmem>>, vector<1x16xi32>,
      %swap3A_351 = vector.shape_cast %swap3A_350 : vector<1x16xi32> to vector<16xi32>
      %swap3A_352 = vector.shape_cast %select_n3A_347 : vector<16xi32> to vector<1x16xi32>
      tpu.vector_store %arg6[%swap3A_348, %swap3A_349], %swap3A_352 {strides = array<i32>} : memref<800x128xi32, #tpu.memory_space<vmem>>, vector<1x16xi32>,
      %get3A_353 = arith.index_cast %add3A_252 : i32 to index
      %get3A_354 = arith.constant 112 : index
      %get3A_355 = tpu.vector_load %arg6[%get3A_353, %get3A_354] {strides = array<i32>} : memref<800x128xi32, #tpu.memory_space<vmem>>, vector<1x16xi32>,
      %get3A_356 = vector.shape_cast %get3A_355 : vector<1x16xi32> to vector<16xi32>
      %sub3A_357 = arith.subi %get3A_356, %add3A_153 : vector<16xi32>
      %bitcast3A_358 = vector.bitcast %sub3A_357 : vector<16xi32> to vector<16xi32>
      %lt3A_359 = arith.cmpi ult, %bitcast3A_358, %broadcast_in_dim3A_43 : vector<16xi32>
      %and3A_360 = arith.andi %sub3A_357, %broadcast_in_dim3A_47 : vector<16xi32>
      %add3A_361 = arith.addi %broadcast_in_dim3A_41, %and3A_360 : vector<16xi32>
      %select_n3A_362 = arith.select %lt3A_359, %sub3A_357, %add3A_361 : vector<16xi1>, vector<16xi32>
      %swap3A_363 = arith.index_cast %add3A_252 : i32 to index
      %swap3A_364 = arith.constant 112 : index
      %swap3A_365 = tpu.vector_load %arg6[%swap3A_363, %swap3A_364] {strides = array<i32>} : memref<800x128xi32, #tpu.memory_space<vmem>>, vector<1x16xi32>,
      %swap3A_366 = vector.shape_cast %swap3A_365 : vector<1x16xi32> to vector<16xi32>
      %swap3A_367 = vector.shape_cast %select_n3A_362 : vector<16xi32> to vector<1x16xi32>
      tpu.vector_store %arg6[%swap3A_363, %swap3A_364], %swap3A_367 {strides = array<i32>} : memref<800x128xi32, #tpu.memory_space<vmem>>, vector<1x16xi32>,
      %mul3A_368 = arith.constant 2 : i32
      %mul3A_369 = arith.muli %scan3A_247, %mul3A_368 : i32
      %add3A_370 = arith.constant 1 : i32
      %add3A_371 = arith.addi %mul3A_369, %add3A_370 : i32
      %get3A_372 = arith.index_cast %add3A_371 : i32 to index
      %get3A_373 = arith.constant 0 : index
      %get3A_374 = tpu.vector_load %arg6[%get3A_372, %get3A_373] {strides = array<i32>} : memref<800x128xi32, #tpu.memory_space<vmem>>, vector<1x16xi32>,
      %get3A_375 = vector.shape_cast %get3A_374 : vector<1x16xi32> to vector<16xi32>
      %sub3A_376 = arith.subi %get3A_375, %add3A_153 : vector<16xi32>
      %bitcast3A_377 = vector.bitcast %sub3A_376 : vector<16xi32> to vector<16xi32>
      %lt3A_378 = arith.cmpi ult, %bitcast3A_377, %broadcast_in_dim3A_43 : vector<16xi32>
      %and3A_379 = arith.andi %sub3A_376, %broadcast_in_dim3A_47 : vector<16xi32>
      %add3A_380 = arith.addi %broadcast_in_dim3A_41, %and3A_379 : vector<16xi32>
      %select_n3A_381 = arith.select %lt3A_378, %sub3A_376, %add3A_380 : vector<16xi1>, vector<16xi32>
      %swap3A_382 = arith.index_cast %add3A_371 : i32 to index
      %swap3A_383 = arith.constant 0 : index
      %swap3A_384 = tpu.vector_load %arg6[%swap3A_382, %swap3A_383] {strides = array<i32>} : memref<800x128xi32, #tpu.memory_space<vmem>>, vector<1x16xi32>,
      %swap3A_385 = vector.shape_cast %swap3A_384 : vector<1x16xi32> to vector<16xi32>
      %swap3A_386 = vector.shape_cast %select_n3A_381 : vector<16xi32> to vector<1x16xi32>
      tpu.vector_store %arg6[%swap3A_382, %swap3A_383], %swap3A_386 {strides = array<i32>} : memref<800x128xi32, #tpu.memory_space<vmem>>, vector<1x16xi32>,
      %get3A_387 = arith.index_cast %add3A_371 : i32 to index
      %get3A_388 = arith.constant 16 : index
      %get3A_389 = tpu.vector_load %arg6[%get3A_387, %get3A_388] {strides = array<i32>} : memref<800x128xi32, #tpu.memory_space<vmem>>, vector<1x16xi32>,
      %get3A_390 = vector.shape_cast %get3A_389 : vector<1x16xi32> to vector<16xi32>
      %sub3A_391 = arith.subi %get3A_390, %add3A_153 : vector<16xi32>
      %bitcast3A_392 = vector.bitcast %sub3A_391 : vector<16xi32> to vector<16xi32>
      %lt3A_393 = arith.cmpi ult, %bitcast3A_392, %broadcast_in_dim3A_43 : vector<16xi32>
      %and3A_394 = arith.andi %sub3A_391, %broadcast_in_dim3A_47 : vector<16xi32>
      %add3A_395 = arith.addi %broadcast_in_dim3A_41, %and3A_394 : vector<16xi32>
      %select_n3A_396 = arith.select %lt3A_393, %sub3A_391, %add3A_395 : vector<16xi1>, vector<16xi32>
      %swap3A_397 = arith.index_cast %add3A_371 : i32 to index
      %swap3A_398 = arith.constant 16 : index
      %swap3A_399 = tpu.vector_load %arg6[%swap3A_397, %swap3A_398] {strides = array<i32>} : memref<800x128xi32, #tpu.memory_space<vmem>>, vector<1x16xi32>,
      %swap3A_400 = vector.shape_cast %swap3A_399 : vector<1x16xi32> to vector<16xi32>
      %swap3A_401 = vector.shape_cast %select_n3A_396 : vector<16xi32> to vector<1x16xi32>
      tpu.vector_store %arg6[%swap3A_397, %swap3A_398], %swap3A_401 {strides = array<i32>} : memref<800x128xi32, #tpu.memory_space<vmem>>, vector<1x16xi32>,
      %get3A_402 = arith.index_cast %add3A_371 : i32 to index
      %get3A_403 = arith.constant 32 : index
      %get3A_404 = tpu.vector_load %arg6[%get3A_402, %get3A_403] {strides = array<i32>} : memref<800x128xi32, #tpu.memory_space<vmem>>, vector<1x16xi32>,
      %get3A_405 = vector.shape_cast %get3A_404 : vector<1x16xi32> to vector<16xi32>
      %sub3A_406 = arith.subi %get3A_405, %add3A_153 : vector<16xi32>
      %bitcast3A_407 = vector.bitcast %sub3A_406 : vector<16xi32> to vector<16xi32>
      %lt3A_408 = arith.cmpi ult, %bitcast3A_407, %broadcast_in_dim3A_43 : vector<16xi32>
      %and3A_409 = arith.andi %sub3A_406, %broadcast_in_dim3A_47 : vector<16xi32>
      %add3A_410 = arith.addi %broadcast_in_dim3A_41, %and3A_409 : vector<16xi32>
      %select_n3A_411 = arith.select %lt3A_408, %sub3A_406, %add3A_410 : vector<16xi1>, vector<16xi32>
      %swap3A_412 = arith.index_cast %add3A_371 : i32 to index
      %swap3A_413 = arith.constant 32 : index
      %swap3A_414 = tpu.vector_load %arg6[%swap3A_412, %swap3A_413] {strides = array<i32>} : memref<800x128xi32, #tpu.memory_space<vmem>>, vector<1x16xi32>,
      %swap3A_415 = vector.shape_cast %swap3A_414 : vector<1x16xi32> to vector<16xi32>
      %swap3A_416 = vector.shape_cast %select_n3A_411 : vector<16xi32> to vector<1x16xi32>
      tpu.vector_store %arg6[%swap3A_412, %swap3A_413], %swap3A_416 {strides = array<i32>} : memref<800x128xi32, #tpu.memory_space<vmem>>, vector<1x16xi32>,
      %get3A_417 = arith.index_cast %add3A_371 : i32 to index
      %get3A_418 = arith.constant 48 : index
      %get3A_419 = tpu.vector_load %arg6[%get3A_417, %get3A_418] {strides = array<i32>} : memref<800x128xi32, #tpu.memory_space<vmem>>, vector<1x16xi32>,
      %get3A_420 = vector.shape_cast %get3A_419 : vector<1x16xi32> to vector<16xi32>
      %sub3A_421 = arith.subi %get3A_420, %add3A_153 : vector<16xi32>
      %bitcast3A_422 = vector.bitcast %sub3A_421 : vector<16xi32> to vector<16xi32>
      %lt3A_423 = arith.cmpi ult, %bitcast3A_422, %broadcast_in_dim3A_43 : vector<16xi32>
      %and3A_424 = arith.andi %sub3A_421, %broadcast_in_dim3A_47 : vector<16xi32>
      %add3A_425 = arith.addi %broadcast_in_dim3A_41, %and3A_424 : vector<16xi32>
      %select_n3A_426 = arith.select %lt3A_423, %sub3A_421, %add3A_425 : vector<16xi1>, vector<16xi32>
      %swap3A_427 = arith.index_cast %add3A_371 : i32 to index
      %swap3A_428 = arith.constant 48 : index
      %swap3A_429 = tpu.vector_load %arg6[%swap3A_427, %swap3A_428] {strides = array<i32>} : memref<800x128xi32, #tpu.memory_space<vmem>>, vector<1x16xi32>,
      %swap3A_430 = vector.shape_cast %swap3A_429 : vector<1x16xi32> to vector<16xi32>
      %swap3A_431 = vector.shape_cast %select_n3A_426 : vector<16xi32> to vector<1x16xi32>
      tpu.vector_store %arg6[%swap3A_427, %swap3A_428], %swap3A_431 {strides = array<i32>} : memref<800x128xi32, #tpu.memory_space<vmem>>, vector<1x16xi32>,
      %get3A_432 = arith.index_cast %add3A_371 : i32 to index
      %get3A_433 = arith.constant 64 : index
      %get3A_434 = tpu.vector_load %arg6[%get3A_432, %get3A_433] {strides = array<i32>} : memref<800x128xi32, #tpu.memory_space<vmem>>, vector<1x16xi32>,
      %get3A_435 = vector.shape_cast %get3A_434 : vector<1x16xi32> to vector<16xi32>
      %sub3A_436 = arith.subi %get3A_435, %add3A_153 : vector<16xi32>
      %bitcast3A_437 = vector.bitcast %sub3A_436 : vector<16xi32> to vector<16xi32>
      %lt3A_438 = arith.cmpi ult, %bitcast3A_437, %broadcast_in_dim3A_43 : vector<16xi32>
      %and3A_439 = arith.andi %sub3A_436, %broadcast_in_dim3A_47 : vector<16xi32>
      %add3A_440 = arith.addi %broadcast_in_dim3A_41, %and3A_439 : vector<16xi32>
      %select_n3A_441 = arith.select %lt3A_438, %sub3A_436, %add3A_440 : vector<16xi1>, vector<16xi32>
      %swap3A_442 = arith.index_cast %add3A_371 : i32 to index
      %swap3A_443 = arith.constant 64 : index
      %swap3A_444 = tpu.vector_load %arg6[%swap3A_442, %swap3A_443] {strides = array<i32>} : memref<800x128xi32, #tpu.memory_space<vmem>>, vector<1x16xi32>,
      %swap3A_445 = vector.shape_cast %swap3A_444 : vector<1x16xi32> to vector<16xi32>
      %swap3A_446 = vector.shape_cast %select_n3A_441 : vector<16xi32> to vector<1x16xi32>
      tpu.vector_store %arg6[%swap3A_442, %swap3A_443], %swap3A_446 {strides = array<i32>} : memref<800x128xi32, #tpu.memory_space<vmem>>, vector<1x16xi32>,
      %get3A_447 = arith.index_cast %add3A_371 : i32 to index
      %get3A_448 = arith.constant 80 : index
      %get3A_449 = tpu.vector_load %arg6[%get3A_447, %get3A_448] {strides = array<i32>} : memref<800x128xi32, #tpu.memory_space<vmem>>, vector<1x16xi32>,
      %get3A_450 = vector.shape_cast %get3A_449 : vector<1x16xi32> to vector<16xi32>
      %sub3A_451 = arith.subi %get3A_450, %add3A_153 : vector<16xi32>
      %bitcast3A_452 = vector.bitcast %sub3A_451 : vector<16xi32> to vector<16xi32>
      %lt3A_453 = arith.cmpi ult, %bitcast3A_452, %broadcast_in_dim3A_43 : vector<16xi32>
      %and3A_454 = arith.andi %sub3A_451, %broadcast_in_dim3A_47 : vector<16xi32>
      %add3A_455 = arith.addi %broadcast_in_dim3A_41, %and3A_454 : vector<16xi32>
      %select_n3A_456 = arith.select %lt3A_453, %sub3A_451, %add3A_455 : vector<16xi1>, vector<16xi32>
      %swap3A_457 = arith.index_cast %add3A_371 : i32 to index
      %swap3A_458 = arith.constant 80 : index
      %swap3A_459 = tpu.vector_load %arg6[%swap3A_457, %swap3A_458] {strides = array<i32>} : memref<800x128xi32, #tpu.memory_space<vmem>>, vector<1x16xi32>,
      %swap3A_460 = vector.shape_cast %swap3A_459 : vector<1x16xi32> to vector<16xi32>
      %swap3A_461 = vector.shape_cast %select_n3A_456 : vector<16xi32> to vector<1x16xi32>
      tpu.vector_store %arg6[%swap3A_457, %swap3A_458], %swap3A_461 {strides = array<i32>} : memref<800x128xi32, #tpu.memory_space<vmem>>, vector<1x16xi32>,
      %get3A_462 = arith.index_cast %add3A_371 : i32 to index
      %get3A_463 = arith.constant 96 : index
      %get3A_464 = tpu.vector_load %arg6[%get3A_462, %get3A_463] {strides = array<i32>} : memref<800x128xi32, #tpu.memory_space<vmem>>, vector<1x16xi32>,
      %get3A_465 = vector.shape_cast %get3A_464 : vector<1x16xi32> to vector<16xi32>
      %sub3A_466 = arith.subi %get3A_465, %add3A_153 : vector<16xi32>
      %bitcast3A_467 = vector.bitcast %sub3A_466 : vector<16xi32> to vector<16xi32>
      %lt3A_468 = arith.cmpi ult, %bitcast3A_467, %broadcast_in_dim3A_43 : vector<16xi32>
      %and3A_469 = arith.andi %sub3A_466, %broadcast_in_dim3A_47 : vector<16xi32>
      %add3A_470 = arith.addi %broadcast_in_dim3A_41, %and3A_469 : vector<16xi32>
      %select_n3A_471 = arith.select %lt3A_468, %sub3A_466, %add3A_470 : vector<16xi1>, vector<16xi32>
      %swap3A_472 = arith.index_cast %add3A_371 : i32 to index
      %swap3A_473 = arith.constant 96 : index
      %swap3A_474 = tpu.vector_load %arg6[%swap3A_472, %swap3A_473] {strides = array<i32>} : memref<800x128xi32, #tpu.memory_space<vmem>>, vector<1x16xi32>,
      %swap3A_475 = vector.shape_cast %swap3A_474 : vector<1x16xi32> to vector<16xi32>
      %swap3A_476 = vector.shape_cast %select_n3A_471 : vector<16xi32> to vector<1x16xi32>
      tpu.vector_store %arg6[%swap3A_472, %swap3A_473], %swap3A_476 {strides = array<i32>} : memref<800x128xi32, #tpu.memory_space<vmem>>, vector<1x16xi32>,
      %get3A_477 = arith.index_cast %add3A_371 : i32 to index
      %get3A_478 = arith.constant 112 : index
      %get3A_479 = tpu.vector_load %arg6[%get3A_477, %get3A_478] {strides = array<i32>} : memref<800x128xi32, #tpu.memory_space<vmem>>, vector<1x16xi32>,
      %get3A_480 = vector.shape_cast %get3A_479 : vector<1x16xi32> to vector<16xi32>
      %sub3A_481 = arith.subi %get3A_480, %add3A_153 : vector<16xi32>
      %bitcast3A_482 = vector.bitcast %sub3A_481 : vector<16xi32> to vector<16xi32>
      %lt3A_483 = arith.cmpi ult, %bitcast3A_482, %broadcast_in_dim3A_43 : vector<16xi32>
      %and3A_484 = arith.andi %sub3A_481, %broadcast_in_dim3A_47 : vector<16xi32>
      %add3A_485 = arith.addi %broadcast_in_dim3A_41, %and3A_484 : vector<16xi32>
      %select_n3A_486 = arith.select %lt3A_483, %sub3A_481, %add3A_485 : vector<16xi1>, vector<16xi32>
      %swap3A_487 = arith.index_cast %add3A_371 : i32 to index
      %swap3A_488 = arith.constant 112 : index
      %swap3A_489 = tpu.vector_load %arg6[%swap3A_487, %swap3A_488] {strides = array<i32>} : memref<800x128xi32, #tpu.memory_space<vmem>>, vector<1x16xi32>,
      %swap3A_490 = vector.shape_cast %swap3A_489 : vector<1x16xi32> to vector<16xi32>
      %swap3A_491 = vector.shape_cast %select_n3A_486 : vector<16xi32> to vector<1x16xi32>
      tpu.vector_store %arg6[%swap3A_487, %swap3A_488], %swap3A_491 {strides = array<i32>} : memref<800x128xi32, #tpu.memory_space<vmem>>, vector<1x16xi32>,
      %scan3A_492 = arith.constant 0 : i32
      scf.yield %scan3A_492 : i32
    }
    %scan3A_198 = arith.constant 400 : i32
    %barrier3A_199 = arith.constant 0 : index
    tpu.barrier barrier_id(%barrier3A_199)
    %scan3A_200 = arith.constant 0 : i32
    %scan3A_201 = arith.constant 0 : i32
    %scan3A_202 = arith.constant 800 : i32
    %scan3A_203 = arith.addi %scan3A_201, %scan3A_202 : i32
    %scan3A_204 = arith.constant 1 : i32
    %scan3A_205 = scf.for %scan3A_247 = %scan3A_201 to %scan3A_203 step %scan3A_204 iter_args(%scan3A_248 = %scan3A_200) -> (i32)  : i32 {
      %dma_start3A_249 = arith.constant 0 : i32
      %dma_start3A_250 = tpu.memref_slice %arg6[%scan3A_247, %dma_start3A_249] : memref<800x128xi32, #tpu.memory_space<vmem>> -> memref<1x128xi32, #tpu.memory_space<vmem>>
      %dma_start3A_251 = tpu.memref_squeeze %dma_start3A_250 : memref<1x128xi32, #tpu.memory_space<vmem>> -> memref<128xi32, #tpu.memory_space<vmem>>
      %dma_start3A_252 = arith.constant 0 : i32
      %dma_start3A_253 = tpu.memref_slice %arg11[%dma_start3A_252] : memref<252048xf32, #tpu.memory_space<vmem_shared>> -> memref<252048xf32, #tpu.memory_space<vmem_shared>>
      tpu.enqueue_indirect_dma source(%arg7 : memref<128xf32, #tpu.memory_space<vmem>>) target(%dma_start3A_253 : memref<252048xf32, #tpu.memory_space<vmem_shared>>) offsets(%dma_start3A_251 : memref<128xi32, #tpu.memory_space<vmem>>) semaphore(%arg15 : memref<!tpu.dma_semaphore, #tpu.memory_space<semaphore_mem>>)
      %scan3A_254 = arith.constant 0 : i32
      scf.yield %scan3A_254 : i32
    }
    %scan3A_206 = arith.constant 800 : i32
    %scan3A_207 = arith.constant 0 : i32
    %scan3A_208 = arith.constant 0 : i32
    %scan3A_209 = arith.constant 800 : i32
    %scan3A_210 = arith.addi %scan3A_208, %scan3A_209 : i32
    %scan3A_211 = arith.constant 1 : i32
    %scan3A_212 = scf.for %scan3A_247 = %scan3A_208 to %scan3A_210 step %scan3A_211 iter_args(%scan3A_248 = %scan3A_207) -> (i32)  : i32 {
      %dma_wait3A_249 = arith.constant 0 : i32
      %dma_wait3A_250 = arith.constant 0 : i32
      %dma_wait3A_251 = tpu.memref_slice %arg6[%dma_wait3A_249, %dma_wait3A_250] : memref<800x128xi32, #tpu.memory_space<vmem>> -> memref<1x128xi32, #tpu.memory_space<vmem>>
      %dma_wait3A_252 = tpu.memref_squeeze %dma_wait3A_251 : memref<1x128xi32, #tpu.memory_space<vmem>> -> memref<128xi32, #tpu.memory_space<vmem>>
      %dma_wait3A_253 = arith.constant 0 : i32
      %dma_wait3A_254 = tpu.memref_slice %arg11[%dma_wait3A_253] : memref<252048xf32, #tpu.memory_space<vmem_shared>> -> memref<252048xf32, #tpu.memory_space<vmem_shared>>
      tpu.wait_indirect_dma semaphore(%arg15 : memref<!tpu.dma_semaphore, #tpu.memory_space<semaphore_mem>>) src(%arg7 : memref<128xf32, #tpu.memory_space<vmem>>) dst(%dma_wait3A_254 : memref<252048xf32, #tpu.memory_space<vmem_shared>>)
      %scan3A_255 = arith.constant 0 : i32
      scf.yield %scan3A_255 : i32
    }
    %scan3A_213 = arith.constant 800 : i32
    %barrier3A_214 = arith.constant 0 : index
    tpu.barrier barrier_id(%barrier3A_214)
    %add3A_215 = arith.constant 0 : i32
    %add3A_216 = arith.addi %mul3A_40, %add3A_215 : i32
    "tpu.region"() ({
      %run_scoped3A = tpu.sem_alloc : memref<!tpu.dma_semaphore, #tpu.memory_space<semaphore_mem>>
      %dma_start3A_247 = tpu.memref_slice %arg11[%add3A_216] : memref<252048xf32, #tpu.memory_space<vmem_shared>> -> memref<5208xf32, #tpu.memory_space<vmem_shared>>
      %dma_start3A_248 = tpu.memref_slice %arg11[%add3A_216] : memref<252048xf32, #tpu.memory_space<vmem_shared>> -> memref<5208xf32, #tpu.memory_space<vmem_shared>>
      tpu.enqueue_dma source(%dma_start3A_248 : memref<5208xf32, #tpu.memory_space<vmem_shared>>) target(%arg9 : memref<5208xf32, #tpu.memory_space<vmem>>) target_semaphore(%run_scoped3A : memref<!tpu.dma_semaphore, #tpu.memory_space<semaphore_mem>>)
      %dma_wait3A_249 = tpu.memref_slice %arg11[%add3A_216] : memref<252048xf32, #tpu.memory_space<vmem_shared>> -> memref<5208xf32, #tpu.memory_space<vmem_shared>>
      %dma_wait3A_250 = tpu.memref_slice %arg11[%add3A_216] : memref<252048xf32, #tpu.memory_space<vmem_shared>> -> memref<5208xf32, #tpu.memory_space<vmem_shared>>
      tpu.wait_dma2 semaphore(%run_scoped3A : memref<!tpu.dma_semaphore, #tpu.memory_space<semaphore_mem>>) src(%dma_wait3A_250 : memref<5208xf32, #tpu.memory_space<vmem_shared>>) dst(%arg9 : memref<5208xf32, #tpu.memory_space<vmem>>)
      tpu.yield
    }) : () -> ()
    %add3A_217 = arith.addi %mul3A_151, %mul3A_40 : i32
    %add3A_218 = arith.constant 0 : i32
    %add3A_219 = arith.addi %add3A_217, %add3A_218 : i32
    %dma_start3A_220 = tpu.memref_slice %arg5[%add3A_219] : memref<1000000xf32, #tpu.memory_space<hbm>> -> memref<5208xf32, #tpu.memory_space<hbm>>
    %dma_start3A_221 = tpu.memref_slice %arg5[%add3A_219] : memref<1000000xf32, #tpu.memory_space<hbm>> -> memref<5208xf32, #tpu.memory_space<hbm>>
    tpu.enqueue_dma source(%arg9 : memref<5208xf32, #tpu.memory_space<vmem>>) target(%dma_start3A_221 : memref<5208xf32, #tpu.memory_space<hbm>>) target_semaphore(%arg13 : memref<!tpu.dma_semaphore, #tpu.memory_space<semaphore_mem>>)
    %add3A_222 = arith.constant 5208 : i32
    %add3A_223 = arith.addi %mul3A_40, %add3A_222 : i32
    "tpu.region"() ({
      %run_scoped3A = tpu.sem_alloc : memref<!tpu.dma_semaphore, #tpu.memory_space<semaphore_mem>>
      %dma_start3A_247 = tpu.memref_slice %arg11[%add3A_223] : memref<252048xf32, #tpu.memory_space<vmem_shared>> -> memref<5208xf32, #tpu.memory_space<vmem_shared>>
      %dma_start3A_248 = tpu.memref_slice %arg11[%add3A_223] : memref<252048xf32, #tpu.memory_space<vmem_shared>> -> memref<5208xf32, #tpu.memory_space<vmem_shared>>
      tpu.enqueue_dma source(%dma_start3A_248 : memref<5208xf32, #tpu.memory_space<vmem_shared>>) target(%arg10 : memref<5208xf32, #tpu.memory_space<vmem>>) target_semaphore(%run_scoped3A : memref<!tpu.dma_semaphore, #tpu.memory_space<semaphore_mem>>)
      %dma_wait3A_249 = tpu.memref_slice %arg11[%add3A_223] : memref<252048xf32, #tpu.memory_space<vmem_shared>> -> memref<5208xf32, #tpu.memory_space<vmem_shared>>
      %dma_wait3A_250 = tpu.memref_slice %arg11[%add3A_223] : memref<252048xf32, #tpu.memory_space<vmem_shared>> -> memref<5208xf32, #tpu.memory_space<vmem_shared>>
      tpu.wait_dma2 semaphore(%run_scoped3A : memref<!tpu.dma_semaphore, #tpu.memory_space<semaphore_mem>>) src(%dma_wait3A_250 : memref<5208xf32, #tpu.memory_space<vmem_shared>>) dst(%arg10 : memref<5208xf32, #tpu.memory_space<vmem>>)
      tpu.yield
    }) : () -> ()
    %add3A_224 = arith.addi %mul3A_151, %mul3A_40 : i32
    %add3A_225 = arith.constant 5208 : i32
    %add3A_226 = arith.addi %add3A_224, %add3A_225 : i32
    %dma_start3A_227 = tpu.memref_slice %arg5[%add3A_226] : memref<1000000xf32, #tpu.memory_space<hbm>> -> memref<5208xf32, #tpu.memory_space<hbm>>
    %dma_start3A_228 = tpu.memref_slice %arg5[%add3A_226] : memref<1000000xf32, #tpu.memory_space<hbm>> -> memref<5208xf32, #tpu.memory_space<hbm>>
    tpu.enqueue_dma source(%arg10 : memref<5208xf32, #tpu.memory_space<vmem>>) target(%dma_start3A_228 : memref<5208xf32, #tpu.memory_space<hbm>>) target_semaphore(%arg14 : memref<!tpu.dma_semaphore, #tpu.memory_space<semaphore_mem>>)
    %dma_wait3A_229 = tpu.memref_slice %arg5[%add3A_219] : memref<1000000xf32, #tpu.memory_space<hbm>> -> memref<5208xf32, #tpu.memory_space<hbm>>
    %dma_wait3A_230 = tpu.memref_slice %arg5[%add3A_219] : memref<1000000xf32, #tpu.memory_space<hbm>> -> memref<5208xf32, #tpu.memory_space<hbm>>
    tpu.wait_dma2 semaphore(%arg13 : memref<!tpu.dma_semaphore, #tpu.memory_space<semaphore_mem>>) src(%arg9 : memref<5208xf32, #tpu.memory_space<vmem>>) dst(%dma_wait3A_230 : memref<5208xf32, #tpu.memory_space<hbm>>)
    %add3A_231 = arith.constant 10416 : i32
    %add3A_232 = arith.addi %mul3A_40, %add3A_231 : i32
    "tpu.region"() ({
      %run_scoped3A = tpu.sem_alloc : memref<!tpu.dma_semaphore, #tpu.memory_space<semaphore_mem>>
      %dma_start3A_247 = tpu.memref_slice %arg11[%add3A_232] : memref<252048xf32, #tpu.memory_space<vmem_shared>> -> memref<5208xf32, #tpu.memory_space<vmem_shared>>
      %dma_start3A_248 = tpu.memref_slice %arg11[%add3A_232] : memref<252048xf32, #tpu.memory_space<vmem_shared>> -> memref<5208xf32, #tpu.memory_space<vmem_shared>>
      tpu.enqueue_dma source(%dma_start3A_248 : memref<5208xf32, #tpu.memory_space<vmem_shared>>) target(%arg9 : memref<5208xf32, #tpu.memory_space<vmem>>) target_semaphore(%run_scoped3A : memref<!tpu.dma_semaphore, #tpu.memory_space<semaphore_mem>>)
      %dma_wait3A_249 = tpu.memref_slice %arg11[%add3A_232] : memref<252048xf32, #tpu.memory_space<vmem_shared>> -> memref<5208xf32, #tpu.memory_space<vmem_shared>>
      %dma_wait3A_250 = tpu.memref_slice %arg11[%add3A_232] : memref<252048xf32, #tpu.memory_space<vmem_shared>> -> memref<5208xf32, #tpu.memory_space<vmem_shared>>
      tpu.wait_dma2 semaphore(%run_scoped3A : memref<!tpu.dma_semaphore, #tpu.memory_space<semaphore_mem>>) src(%dma_wait3A_250 : memref<5208xf32, #tpu.memory_space<vmem_shared>>) dst(%arg9 : memref<5208xf32, #tpu.memory_space<vmem>>)
      tpu.yield
    }) : () -> ()
    %add3A_233 = arith.addi %mul3A_151, %mul3A_40 : i32
    %add3A_234 = arith.constant 10416 : i32
    %add3A_235 = arith.addi %add3A_233, %add3A_234 : i32
    %dma_start3A_236 = tpu.memref_slice %arg5[%add3A_235] : memref<1000000xf32, #tpu.memory_space<hbm>> -> memref<5208xf32, #tpu.memory_space<hbm>>
    %dma_start3A_237 = tpu.memref_slice %arg5[%add3A_235] : memref<1000000xf32, #tpu.memory_space<hbm>> -> memref<5208xf32, #tpu.memory_space<hbm>>
    tpu.enqueue_dma source(%arg9 : memref<5208xf32, #tpu.memory_space<vmem>>) target(%dma_start3A_237 : memref<5208xf32, #tpu.memory_space<hbm>>) target_semaphore(%arg13 : memref<!tpu.dma_semaphore, #tpu.memory_space<semaphore_mem>>)
    %dma_wait3A_238 = tpu.memref_slice %arg5[%add3A_235] : memref<1000000xf32, #tpu.memory_space<hbm>> -> memref<5208xf32, #tpu.memory_space<hbm>>
    %dma_wait3A_239 = tpu.memref_slice %arg5[%add3A_235] : memref<1000000xf32, #tpu.memory_space<hbm>> -> memref<5208xf32, #tpu.memory_space<hbm>>
    tpu.wait_dma2 semaphore(%arg13 : memref<!tpu.dma_semaphore, #tpu.memory_space<semaphore_mem>>) src(%arg9 : memref<5208xf32, #tpu.memory_space<vmem>>) dst(%dma_wait3A_239 : memref<5208xf32, #tpu.memory_space<hbm>>)
    %dma_wait3A_240 = tpu.memref_slice %arg5[%add3A_226] : memref<1000000xf32, #tpu.memory_space<hbm>> -> memref<5208xf32, #tpu.memory_space<hbm>>
    %dma_wait3A_241 = tpu.memref_slice %arg5[%add3A_226] : memref<1000000xf32, #tpu.memory_space<hbm>> -> memref<5208xf32, #tpu.memory_space<hbm>>
    tpu.wait_dma2 semaphore(%arg14 : memref<!tpu.dma_semaphore, #tpu.memory_space<semaphore_mem>>) src(%arg10 : memref<5208xf32, #tpu.memory_space<vmem>>) dst(%dma_wait3A_241 : memref<5208xf32, #tpu.memory_space<hbm>>)
    %eq3A_242 = arith.constant 15 : i32
    %eq3A_243 = arith.cmpi eq, %arg1, %eq3A_242 : i32
    %convert_element_type3A_244 = arith.extui %eq3A_243 : i1 to i32
    %cond3A_245 = arith.constant 0 : i32
    %cond3A_246 = arith.cmpi ne, %convert_element_type3A_244, %cond3A_245 : i32
    scf.if %cond3A_246 {
      "tpu.region"() ({
        %run_scoped3A = tpu.sem_alloc : memref<!tpu.dma_semaphore, #tpu.memory_space<semaphore_mem>>
        %dma_start3A_249 = arith.constant 0 : i32
        %dma_start3A_250 = tpu.memref_slice %arg9[%dma_start3A_249] : memref<5208xf32, #tpu.memory_space<vmem>> -> memref<16xf32, #tpu.memory_space<vmem>>
        %dma_start3A_251 = arith.constant 249984 : i32
        %dma_start3A_252 = tpu.memref_slice %arg11[%dma_start3A_251] : memref<252048xf32, #tpu.memory_space<vmem_shared>> -> memref<16xf32, #tpu.memory_space<vmem_shared>>
        %dma_start3A_253 = arith.constant 0 : i32
        %dma_start3A_254 = tpu.memref_slice %arg9[%dma_start3A_253] : memref<5208xf32, #tpu.memory_space<vmem>> -> memref<16xf32, #tpu.memory_space<vmem>>
        %dma_start3A_255 = arith.constant 249984 : i32
        %dma_start3A_256 = tpu.memref_slice %arg11[%dma_start3A_255] : memref<252048xf32, #tpu.memory_space<vmem_shared>> -> memref<16xf32, #tpu.memory_space<vmem_shared>>
        tpu.enqueue_dma source(%dma_start3A_256 : memref<16xf32, #tpu.memory_space<vmem_shared>>) target(%dma_start3A_254 : memref<16xf32, #tpu.memory_space<vmem>>) target_semaphore(%run_scoped3A : memref<!tpu.dma_semaphore, #tpu.memory_space<semaphore_mem>>)
        %dma_wait3A_257 = arith.constant 0 : i32
        %dma_wait3A_258 = tpu.memref_slice %arg9[%dma_wait3A_257] : memref<5208xf32, #tpu.memory_space<vmem>> -> memref<16xf32, #tpu.memory_space<vmem>>
        %dma_wait3A_259 = arith.constant 249984 : i32
        %dma_wait3A_260 = tpu.memref_slice %arg11[%dma_wait3A_259] : memref<252048xf32, #tpu.memory_space<vmem_shared>> -> memref<16xf32, #tpu.memory_space<vmem_shared>>
        %dma_wait3A_261 = arith.constant 0 : i32
        %dma_wait3A_262 = tpu.memref_slice %arg9[%dma_wait3A_261] : memref<5208xf32, #tpu.memory_space<vmem>> -> memref<16xf32, #tpu.memory_space<vmem>>
        %dma_wait3A_263 = arith.constant 249984 : i32
        %dma_wait3A_264 = tpu.memref_slice %arg11[%dma_wait3A_263] : memref<252048xf32, #tpu.memory_space<vmem_shared>> -> memref<16xf32, #tpu.memory_space<vmem_shared>>
        tpu.wait_dma2 semaphore(%run_scoped3A : memref<!tpu.dma_semaphore, #tpu.memory_space<semaphore_mem>>) src(%dma_wait3A_264 : memref<16xf32, #tpu.memory_space<vmem_shared>>) dst(%dma_wait3A_262 : memref<16xf32, #tpu.memory_space<vmem>>)
        tpu.yield
      }) : () -> ()
      %add3A_247 = arith.constant 249984 : i32
      %add3A_248 = arith.addi %mul3A_151, %add3A_247 : i32
      "tpu.region"() ({
        %run_scoped3A = tpu.sem_alloc : memref<!tpu.dma_semaphore, #tpu.memory_space<semaphore_mem>>
        %dma_start3A_249 = arith.constant 0 : i32
        %dma_start3A_250 = tpu.memref_slice %arg9[%dma_start3A_249] : memref<5208xf32, #tpu.memory_space<vmem>> -> memref<16xf32, #tpu.memory_space<vmem>>
        %dma_start3A_251 = tpu.memref_slice %arg5[%add3A_248] : memref<1000000xf32, #tpu.memory_space<hbm>> -> memref<16xf32, #tpu.memory_space<hbm>>
        %dma_start3A_252 = tpu.memref_slice %arg5[%add3A_248] : memref<1000000xf32, #tpu.memory_space<hbm>> -> memref<16xf32, #tpu.memory_space<hbm>>
        %dma_start3A_253 = arith.constant 0 : i32
        %dma_start3A_254 = tpu.memref_slice %arg9[%dma_start3A_253] : memref<5208xf32, #tpu.memory_space<vmem>> -> memref<16xf32, #tpu.memory_space<vmem>>
        tpu.enqueue_dma source(%dma_start3A_254 : memref<16xf32, #tpu.memory_space<vmem>>) target(%dma_start3A_252 : memref<16xf32, #tpu.memory_space<hbm>>) target_semaphore(%run_scoped3A : memref<!tpu.dma_semaphore, #tpu.memory_space<semaphore_mem>>)
        %dma_wait3A_255 = arith.constant 0 : i32
        %dma_wait3A_256 = tpu.memref_slice %arg9[%dma_wait3A_255] : memref<5208xf32, #tpu.memory_space<vmem>> -> memref<16xf32, #tpu.memory_space<vmem>>
        %dma_wait3A_257 = tpu.memref_slice %arg5[%add3A_248] : memref<1000000xf32, #tpu.memory_space<hbm>> -> memref<16xf32, #tpu.memory_space<hbm>>
        %dma_wait3A_258 = tpu.memref_slice %arg5[%add3A_248] : memref<1000000xf32, #tpu.memory_space<hbm>> -> memref<16xf32, #tpu.memory_space<hbm>>
        %dma_wait3A_259 = arith.constant 0 : i32
        %dma_wait3A_260 = tpu.memref_slice %arg9[%dma_wait3A_259] : memref<5208xf32, #tpu.memory_space<vmem>> -> memref<16xf32, #tpu.memory_space<vmem>>
        tpu.wait_dma2 semaphore(%run_scoped3A : memref<!tpu.dma_semaphore, #tpu.memory_space<semaphore_mem>>) src(%dma_wait3A_260 : memref<16xf32, #tpu.memory_space<vmem>>) dst(%dma_wait3A_258 : memref<16xf32, #tpu.memory_space<hbm>>)
        tpu.yield
      }) : () -> ()
    } else {
    }
    return
  }
}

</mosaic_0001>

<sc_bundles>
// kernel: kernel.3.cloned.1.call-start
scs
__scs_entry_jumppad:
0x0: {  	(pc) =	sbr.rel $0x88, $3  }
0x1: {  	(tag) =	ssettag $0x0;
	lr =	simm.s32 $0x1  }
0x2: {  	[smem:$0x3F9E] =	sst lr;
	_ =	strace $0xD0000000  }
0x3: {  	_ = 	snop  }
0x4: {  	_ = 	snop  }
0x5: {  	_ = 	snop  }
0x6: {  	_ = 	snop  }
0x7: {  	_ = 	snop  }
__scs_overlays_trampoline_lowered:
0x8: {  	[smem:$0x3FAD] =	sst s0  }
0x9: {  	[smem:$0x3FAE] =	sst s1  }
0xa: {  	[smem:$0x3FAF] =	sst s2  }
0xb: {  	[smem:$0x3FB0] =	sst s3  }
0xc: {  	[smem:$0x3FB1] =	sst s4  }
0xd: {  	[smem:$0x3FB2] =	sst s5  }
0xe: {  	[smem:$0x3FB3] =	sst s6  }
0xf: {  	[smem:$0x3FB4] =	sst s7  }
0x10: {  	[smem:$0x3FB5] =	sst s8  }
0x11: {  	[smem:$0x3FB6] =	sst s9;
	s0 =	simm.s32 @!p0 $0x0  }
0x12: {  	s1 =	sld [smem:$0x3F9C];
	s0 =	simm.s32 @p0 $0x1  }
0x13: {  	[smem:$0x3FB7] =	sst s0;
	s0 =	simm.s32 @!p1 $0x0  }
0x14: {  	s2 =	sld [smem:$0x3F9B];
	s0 =	simm.s32 @p1 $0x1  }
0x15: {  	[smem:$0x3FB8] =	sst s0;
	s0 =	simm.s32 @!p2 $0x0  }
0x16: {  	s3 =	sld [smem:$0x3FDB];
	s0 =	simm.s32 @p2 $0x1  }
0x17: {  	s4 =	simm.s32 $0x1BF5;
	[smem:$0x3FBA] =	sst s0  }
0x18: {  	s0 =	sld [smem:$0x3F9D];
	_ =	swait.ge [sflag:s4], $0x0  }
0x19: {  	s7 =	sld [smem:$0x3F9E]  }
0x1a: {  	s8 =	sadd.s32 $0xFFFFE003, lr  }
0x1b: {  	s9 =	sadd.s32 $0xFFFFFEF7, lr;
	s5 =	simm.s32 $0xFFFFFFFF;
	p2 =	slt.u32 s8, $0xFFFFF086  }
0x1c: {  	p1 =	slt.u32 s9, $0xF7A;
	s5 =	simm.s32 @!p2 $0x0  }
0x1d: {  	s5 =	simm.s32 @p1 $0x1;
	p0 =	seq.s32 s7, s2  }
0x1e: {  	s7 =	smul.u32 @!p0 $0xF7A, s2;
	p2 =	seq.s32 @!p0 s5, $0x0  }
0x1f: {  	s9 =	smul.u32 $0xF7A, s1;
	s8 =	simm.s32 @!p0 $0x1BF5;
	p2 =	por !p2, p0  }
0x20: {  	[sflag:s8] =	ssyncset.s32 @!p0 $0xFFFFF086;
	s6 =	sadd.s32 @!p0 s3, s7;
	s7 =	simm.s32 @!p0 $0x108  }
0x21: {  	s3 =	sadd.s32 s3, s9;
	s6 =	sadd.s32 @!p0 $0x88, s6;
	s7 =	simm.s32 @p2 $0x1082  }
0x22: {  	[simem:s7], [sflag:s8] =	dma.local @!p0 [hbm:s6], $0xF7A  }
0x23: {  	s9 =	sor.u32 $0xD0000000, s2;
	s6 =	simm.s32 $0x108;
	_ =	swait.ge @!p0 [sflag:s8], $0x0  }
0x24: {  	s3 =	sadd.s32 $0x88, s3;
	s6 =	simm.s32 @!p1 $0x1082;
	[sflag:s4] =	ssyncset.s32 $0xFFFFF086  }
0x25: {  	[simem:s6], [sflag:s4] =	dma.local [hbm:s3], $0xF7A  }
0x26: {  	[smem:$0x3F9E] =	sst s1;
	(tag) =	ssettag s2;
	_ =	strace s9  }
0x27: {  	s1 =	sld [smem:$0x3FAE]  }
0x28: {  	s2 =	sld [smem:$0x3FAF]  }
0x29: {  	s4 =	sld [smem:$0x3FB1]  }
0x2a: {  	p0 =	seq.s32 s5, $0x0;
	s5 =	sld [smem:$0x3FB2]  }
0x2b: {  	s6 =	sld [smem:$0x3FB3]  }
0x2c: {  	s7 =	sld [smem:$0x3FB4]  }
0x2d: {  	s3 =	simm.s32 $0x108;
	s8 =	sld [smem:$0x3FB5]  }
0x2e: {  	s3 =	simm.s32 @!p0 $0x1082;
	s9 =	sld [smem:$0x3FB6]  }
0x2f: {  	lr =	sadd.s32 s0, s3;
	s0 =	sld [smem:$0x3FAD]  }
0x30: {  	s3 =	sld [smem:$0x3FB0]  }
0x31: {  	[smem:$0x3FB9] =	sst s10  }
0x32: {  	s10 =	sld [smem:$0x3FB7];
	_ =	sdelay $0x3  }
0x33: {  	p0 =	seq.s32 s10, $0x1;
	s10 =	sld [smem:$0x3FB9];
	_ =	sdelay $0x3  }
0x34: {  	[smem:$0x3FB9] =	sst s10  }
0x35: {  	s10 =	sld [smem:$0x3FB8];
	_ =	sdelay $0x3  }
0x36: {  	p1 =	seq.s32 s10, $0x1;
	s10 =	sld [smem:$0x3FB9];
	_ =	sdelay $0x3  }
0x37: {  	[smem:$0x3FB9] =	sst s10  }
0x38: {  	s10 =	sld [smem:$0x3FBA]  }
0x39: {  	_ = 	snop;
	(pc) =	sbr.ind lr, $3  }
0x3a: {  	_ = 	snop  }
0x3b: {  	_ = 	snop  }
0x3c: {  	p2 =	seq.s32 s10, $0x1;
	s10 =	sld [smem:$0x3FB9]  }
0x3d: {  	_ =	shalt  }
0x3e: {  	_ =	shalt  }
0x3f: {  	_ =	shalt  }
0x40: {  	_ =	shalt  }
0x41: {  	_ =	shalt  }
0x42: {  	_ =	shalt  }
0x43: {  	_ =	shalt  }
0x44: {  	_ =	shalt  }
0x45: {  	_ =	shalt  }
0x46: {  	_ =	shalt  }
0x47: {  	_ =	shalt  }
0x48: {  	_ =	shalt  }
0x49: {  	_ =	shalt  }
0x4a: {  	_ =	shalt  }
0x4b: {  	_ =	shalt  }
0x4c: {  	_ =	shalt  }
0x4d: {  	_ =	shalt  }
0x4e: {  	_ =	shalt  }
0x4f: {  	_ =	shalt  }
0x50: {  	_ =	shalt  }
0x51: {  	_ =	shalt  }
0x52: {  	_ =	shalt  }
0x53: {  	_ =	shalt  }
0x54: {  	_ =	shalt  }
0x55: {  	_ =	shalt  }
0x56: {  	_ =	shalt  }
0x57: {  	_ =	shalt  }
0x58: {  	_ =	shalt  }
0x59: {  	_ =	shalt  }
0x5a: {  	_ =	shalt  }
0x5b: {  	_ =	shalt  }
0x5c: {  	_ =	shalt  }
0x5d: {  	_ =	shalt  }
0x5e: {  	_ =	shalt  }
0x5f: {  	_ =	shalt  }
0x60: {  	_ =	shalt  }
0x61: {  	_ =	shalt  }
0x62: {  	_ =	shalt  }
0x63: {  	_ =	shalt  }
0x64: {  	_ =	shalt  }
0x65: {  	_ =	shalt  }
0x66: {  	_ =	shalt  }
0x67: {  	_ =	shalt  }
0x68: {  	_ =	shalt  }
0x69: {  	_ =	shalt  }
0x6a: {  	_ =	shalt  }
0x6b: {  	_ =	shalt  }
0x6c: {  	_ =	shalt  }
0x6d: {  	_ =	shalt  }
0x6e: {  	_ =	shalt  }
0x6f: {  	_ =	shalt  }
0x70: {  	_ =	shalt  }
0x71: {  	_ =	shalt  }
0x72: {  	_ =	shalt  }
0x73: {  	_ =	shalt  }
0x74: {  	_ =	shalt  }
0x75: {  	_ =	shalt  }
0x76: {  	_ =	shalt  }
0x77: {  	_ =	shalt  }
0x78: {  	_ =	shalt  }
0x79: {  	_ =	shalt  }
0x7a: {  	_ =	shalt  }
0x7b: {  	_ =	shalt  }
0x7c: {  	_ =	shalt  }
0x7d: {  	_ =	shalt  }
0x7e: {  	_ =	shalt  }
0x7f: {  	_ =	shalt  }
0x80: {  	_ =	shalt  }
0x81: {  	_ =	shalt  }
0x82: {  	_ =	shalt  }
0x83: {  	_ =	shalt  }
0x84: {  	_ =	shalt  }
0x85: {  	_ =	shalt  }
0x86: {  	_ =	shalt  }
0x87: {  	_ =	shalt  }
.Lfunc_end0:
.L_simem_size_0:
called_computation_lowered:
.L_overlay_start_0:
0x88: {  	s2 =	sld [smem:$0x3FD9]  }
0x89: {  	s3 =	sld [smem:$0x3FFE];
	_ =	sdelay $0x1  }
0x8a: {  	s1 =	srdreg.scid  }
0x8b: {  	s0 =	sand.u32 $0x1, s1  }
0x8c: {  	s17 =	sshll.u32 s0, $0xA;
	s2 =	sadd.s32 s3, s2  }
0x8d: {  	s2 =	sadd.s32 s2, s17  }
0x8e: {  	[smem:$0x3FC5] =	sst s2  }
0x8f: {  	_ = 	snop  }
0x90: {  	s2 =	sld [smem:$0x3FC9]  }
0x91: {  	s18 =	sld [smem:$0x3FC8]  }
0x92: {  	s4 =	sld [smem:$0x3FD0];
	(tm) =	ssettm $0x1  }
0x93: {  	s5 =	sld [smem:$0x3FFB];
	_ =	sdelay $0x3  }
0x94: {  	_ =	strace s5  }
0x95: {  	s5 =	sld [smem:$0x3FFC];
	_ =	sdelay $0x3  }
0x96: {  	_ =	strace s5  }
0x97: {  	s5 =	sld [smem:$0x3FFD];
	_ =	sdelay $0x3  }
0x98: {  	_ =	strace s5  }
0x99: {  	_ =	strace $0x8FFFFFFF  }
0x9a: {  	s19 =	sld [smem:$0x3FDB];
	_ =	sdelay $0x1  }
0x9b: {  	s6 =	simm.s32 $_scs_section_size  }
0x9c: {  	s7 =	simm.s32 $_size__tile_overlayer_lowered;
	s8 =	simm.s32 $_tile_overlayer_lowered  }
0x9d: {  	s22 =	simm.s32 $0x1BFF;
	s21 =	sshll.u32 s8, $0x1;
	s5 =	sadd.s32 s6, s19  }
0x9e: {  	s9 =	simm.s32 $0x0;
	s20 =	sshll.u32 s7, $0x1;
	s7 =	sadd.s32 s21, s5  }
0x9f: {  	[timem:s9], [sflag:s22] =	dma.local [hbm:s7], s20  }
0xa0: {  	_ =	swait.ge [sflag:s22], s20  }
0xa1: {  	s6 =	ssub.s32 $0x0, s20;
	[sflag:s22] =	ssyncset.done $0x0  }
0xa2: {  	[sflag:s22] =	ssyncadd.s32 s6;
	_ =	sdelay $0x1  }
0xa3: {  	s23 =	simm.s32 $0x1B8B  }
0xa4: {  	_ =	swait.ge [sflag:s23], $0x1  }
0xa5: {  	[sflag:s23] =	ssyncset.done $0x0  }
0xa6: {  	s25 =	simm.s32 $0x1B8E;
	s24 =	sld [smem:$0x3FFE];
	[sflag:s23] =	ssyncadd.s32 $0xFFFFFFFF  }
0xa7: {  	s26 =	simm.s32 $execute0_lowered;
	[smem:$0x3FD2] =	sst s25  }
0xa8: {  	s7 =	sshll.u32 s26, $0x1;
	_ =	strace $0x80000046;
	[dreg:$0x1] =	wrdreg $0xFFFFFFFF  }
0xa9: {  	s28 =	simm.s32 $_size_execute0_lowered;
	s5 =	sadd.s32 s5, s7;
	[dreg:$0x0] =	wrdreg $0x0  }
0xaa: {  	s7 =	sshll.u32 s28, $0x1;
	[dreg:$0x2] =	wrdreg s5  }
0xab: {  	[dreg:$0x3] =	wrdreg s7  }
0xac: {  	[dreg:$0x4] =	wrdreg $0xC0  }
0xad: {  	_ =	task [dreg:s9], $0x5FFFF  }
0xae: {  	[dreg:$0x1] =	wrdreg $0xFFFFFFFF  }
0xaf: {  	[dreg:$0x0] =	wrdreg $0x60  }
0xb0: {  	[dreg:$0x2] =	wrdreg s2  }
0xb1: {  	[dreg:$0x3] =	wrdreg s18  }
0xb2: {  	[dreg:$0x4] =	wrdreg s24  }
0xb3: {  	[dreg:$0x5] =	wrdreg s4  }
0xb4: {  	[dreg:$0x6] =	wrdreg $0x1BA000  }
0xb5: {  	[dreg:$0x7] =	wrdreg $0x9  }
0xb6: {  	_ =	task.clear_ibuf [dreg:s9], $0x8FFFF;
	_ =	strace $0x90000046  }
0xb7: {  	s29 =	simm.s32 $0x9;
	_ =	strace $0x80000048  }
0xb8: {  	_ =	swait.ge [sflag:s29], $0x1  }
0xb9: {  	[sflag:s29] =	ssyncadd.s32 $0xFFFFFFFF  }
0xba: {  	_ =	strace $0x90000048  }
0xbb: {  	_ =	sfence  }
0xbc: {  	s30 =	sld [smem:$0x0];
	_ =	sdelay $0x2  }
0xbd: {  	s31 =	sshll.u32 s1, $0xD;
	s1 =	sshrl.u32 s1, $0x2  }
0xbe: {  	s3 =	sand.u32 $0x4000, s31;
	s1 =	sadd.s32 s1, s30  }
0xbf: {  	s0 =	sor.u32 s3, s0;
	s1 =	sshll.u32 s1, $0x11  }
0xc0: {  	s0 =	sor.u32 s1, s0  }
0xc1: {  	s0 =	sadd.s32 $0x8F2B, s0  }
0xc2: {  	[sflag:s0] =	ssyncadd.remote.s32 $0x1  }
0xc3: {  	_ =	sfence.sel $0xFFFF  }
0xc4: {  	[dreg:$0x0] =	wrdreg $0xFFFFFFFF;
	(pc) =	sbr.abs _section_cstart, $3  }
0xc5: {  	[dreg:$0x1] =	wrdreg $0xFFFFFFFF  }
0xc6: {  	_ =	task.clear_ibuf [dreg:s9], $0x2FFFF;
	_ =	strace $0x9FFFFFFF  }
0xc7: {  	(tm) =	ssettm $0x7FFFFFFF  }
tec
execute0_lowered:
.L_overlay_start_1:
0x0: {  	(tag) =	ssettag $0x1  }
0x1: {  	s0 =	rddreg [dreg:$0x0]  }
0x2: {  	s3 =	rddreg [dreg:$0x1]  }
0x3: {  	s4 =	rddreg [dreg:$0x2];
	s1 =	srdreg.scid  }
0x4: {  	s24 =	stileid.u32;
	s5 =	rddreg [dreg:$0x3]  }
0x5: {  	s2 =	simm.s32 $0x0;
	s29 =	simm.s32 $0x5;
	s30 =	simm.s32 $0x19100  }
0x6: {  	s31 =	simm.s32 $0x1A580;
	s28 =	simm.s32 $0x1;
	s7 =	smul.u32 $0x3D08, s24  }
0x7: {  	s6 =	sand.u32 $0x1, s1;
	s1 =	rddreg [dreg:$0x4];
	s10 =	smul.u32 $0x3200, s24  }
0x8: {  	[smem:$0x7FF] =	sst s2;
	s8 =	smul.u32 $0x3D090, s6;
	s6 =	ssub.s32 $0x2, s6  }
0x9: {  	p0 =	sne.s32 s24, $0xF;
	s9 =	sshrl.u32 s6, $0x1;
	s3 =	sadd.s32 s3, s10  }
0xa: {  	s11 =	sadd.s32 s7, s8;
	s23 =	ssub.s32 s6, s9;
	s13 =	sshrl.u32 s8, $0x3  }
0xb: {  	s6 =	sadd.s32 $0x7A120, s8;
	s16 =	sshrl.u32 s11, $0x3;
	s11 =	sadd.s32 $0x1458, s11  }
0xc: {  	s12 =	sadd.s32 $0x7A10, s13;
	s22 =	sadd.s32 s7, s6;
	s13 =	sadd.s32 $0x16E34, s13  }
0xd: {  	s23 =	smax.u32 s23, $0x1;
	v1 =	vmov s6;
	s6 =	simm.s32 $0x4;
	s17 =	sadd.s32 s0, s16  }
0xe: {  	s18 =	sshrl.u32 s11, $0x3;
	s20 =	sadd.s32 $0x516, s16;
	s14 =	sadd.s32 s0, s12  }
0xf: {  	s9 =	sadd.s32 s5, s16;
	s26 =	sshrl.u32 s22, $0x3;
	[dreg:$0x6] =	wrdreg s17  }
0x10: {  	s11 =	sadd.s32 s5, s12;
	s16 =	sadd.s32 s0, s13;
	[dreg:$0x9] =	wrdreg s14  }
0x11: {  	s19 =	sadd.s32 s0, s18;
	s21 =	sadd.s32 s0, s20;
	[dreg:$0xa] =	wrdreg s9  }
0x12: {  	s10 =	sadd.s32 s5, s18;
	s25 =	sadd.s32 s5, s20;
	s12 =	sadd.s32 s0, s26  }
0x13: {  	s9 =	sadd.s32 $0x1458, s22;
	s17 =	sadd.s32 s5, s26;
	[dreg:$0x7] =	wrdreg s19  }
0x14: {  	s20 =	sadd.s32 s5, s13;
	s22 =	sadd.s32 s7, s1;
	[dreg:$0x8] =	wrdreg s21  }
0x15: {  	s13 =	simm.s32 $0x2;
	s7 =	simm.s32 $0x0;
	[dreg:$0xb] =	wrdreg s10  }
0x16: {  	[dreg:$0xc] =	wrdreg s25;
	s9 =	sshrl.u32 s9, $0x3;
	s19 =	sadd.s32 $0x516, s26  }
0x17: {  	s21 =	sadd.s32 $0x400, s4;
	s24 =	sadd.s32 $0x1458, s22;
	s25 =	sadd.s32 $0x28B0, s22  }
0x18: {  	s26 =	sadd.s32 $0x3D080, s1;
	s4 =	simm.s32 $0x80;
	s14 =	sadd.s32 s0, s9  }
0x19: {  	s15 =	sadd.s32 s0, s19;
	s18 =	sadd.s32 s5, s9;
	s19 =	sadd.s32 s5, s19  }
0x1a: {  	v0 =	vmov s8;
	_ =	strace $0x80000047;
	s0 =	simm.s32 $0x3;
	s5 =	simm.s32 $0x19000  }
.LBB2_1:
0x1b: {  	[tilespmem:s2], [sflag:$0x1] =	stream.linear.gather [hbm4b:s3+s2], $0x19000, $0x38;
	[tilespmem:$0x1F790] =	vst v63  }
0x1c: {  	s8 =	simm.s32 $0x19080  }
0x1d: {  	[tilespmem:s8], [sflag:$0x5] =	stream.linear.gather [hbm4b:s21+s2], $0x80, $0x38;
	[tilespmem:$0x1F790] =	vst v63  }
0x1e: {  	_ =	swait.ge [sflag:s29], $0x80  }
0x1f: {  	[sflag:s29] =	ssyncset.done $0x0  }
0x20: {  	[sflag:s29] =	ssyncadd.s32 $0xFFFFFF80  }
0x21: {  	v2 =	vld [tilespmem:$0x19080];
	_ =	sdelay $0x4  }
0x22: {  	[tilespmem:$0x19000] =	vst v2  }
0x23: {  	[tilespmem:$0x19010] =	vst v2  }
0x24: {  	[tilespmem:$0x19020] =	vst v2  }
0x25: {  	[tilespmem:$0x19030] =	vst v2  }
0x26: {  	[tilespmem:$0x19040] =	vst v2  }
0x27: {  	[tilespmem:$0x19050] =	vst v2  }
0x28: {  	[tilespmem:$0x19060] =	vst v2  }
0x29: {  	s10 =	rddreg [dreg:$0x6];
	[tilespmem:$0x19070] =	vst v2  }
0x2a: {  	[tilespmem:s30], [sflag:$0x2] =	stream.linear.gather [hbm4b:s10+s2], $0x1458, $0x38;
	[tilespmem:$0x1F790] =	vst v63  }
0x2b: {  	s9 =	rddreg [dreg:$0x7]  }
0x2c: {  	[tilespmem:s31], [sflag:$0x3] =	stream.linear.gather [hbm4b:s9+s2], $0x1458, $0x38;
	[tilespmem:$0x1F790] =	vst v63  }
0x2d: {  	_ =	swait.ge [sflag:s13], $0x1458  }
0x2e: {  	[sflag:s13] =	ssyncset.done $0x0  }
0x2f: {  	[sflag:s13] =	ssyncadd.s32 $0xFFFFEBA8  }
0x30: {  	[spmem:s22] =	stream.linear.scatter [tilespmem:s30], [sflag:$0x5], $0x1458, $0x38;
	[tilespmem:$0x1F790] =	vst v63  }
0x31: {  	_ =	swait.ge [sflag:s29], $0x1458  }
0x32: {  	[sflag:s29] =	ssyncset.done $0x0  }
0x33: {  	s10 =	rddreg [dreg:$0x8];
	[sflag:s29] =	ssyncadd.s32 $0xFFFFEBA8  }
0x34: {  	[tilespmem:s30], [sflag:$0x2] =	stream.linear.gather [hbm4b:s10+s2], $0x1458, $0x38;
	[tilespmem:$0x1F790] =	vst v63  }
0x35: {  	_ =	swait.ge [sflag:s0], $0x1458  }
0x36: {  	[sflag:s0] =	ssyncset.done $0x0  }
0x37: {  	[sflag:s0] =	ssyncadd.s32 $0xFFFFEBA8  }
0x38: {  	[spmem:s24] =	stream.linear.scatter [tilespmem:s31], [sflag:$0x5], $0x1458, $0x38;
	[tilespmem:$0x1F790] =	vst v63  }
0x39: {  	_ =	swait.ge [sflag:s29], $0x1458  }
0x3a: {  	[sflag:s29] =	ssyncset.done $0x0  }
0x3b: {  	[sflag:s29] =	ssyncadd.s32 $0xFFFFEBA8  }
0x3c: {  	_ =	swait.ge [sflag:s13], $0x1458  }
0x3d: {  	[sflag:s13] =	ssyncset.done $0x0  }
0x3e: {  	[sflag:s13] =	ssyncadd.s32 $0xFFFFEBA8  }
0x3f: {  	[spmem:s25] =	stream.linear.scatter [tilespmem:s30], [sflag:$0x5], $0x1458, $0x38;
	[tilespmem:$0x1F790] =	vst v63  }
0x40: {  	_ =	swait.ge [sflag:s29], $0x1458  }
0x41: {  	s8 =	simm.s32 @!p0 $0x0;
	[sflag:s29] =	ssyncset.done $0x0  }
0x42: {  	s9 =	simm.s32 @!p0 $0x19100;
	s10 =	rddreg [dreg:$0x9];
	[sflag:s29] =	ssyncadd.s32 $0xFFFFEBA8  }
0x43: {  	[tilespmem:s9], [sflag:$0x5] =	stream.linear.gather @!p0 [hbm4b:s10+s8], $0x10, $0x38;
	[tilespmem:$0x1F790] =	vst v63  }
0x44: {  	s8 =	simm.s32 @!p0 $0x5  }
0x45: {  	_ =	swait.ge @!p0 [sflag:s8], $0x10  }
0x46: {  	[sflag:s8] =	ssyncset.done @!p0 $0x0  }
0x47: {  	[sflag:s8] =	ssyncadd.s32 @!p0 $0xFFFFFFF0  }
0x48: {  	[spmem:s26] =	stream.linear.scatter @!p0 [tilespmem:s9], [sflag:$0x5], $0x10, $0x38;
	[tilespmem:$0x1F790] =	vst v63  }
0x49: {  	_ =	swait.ge @!p0 [sflag:s8], $0x10  }
0x4a: {  	[sflag:s8] =	ssyncset.done @!p0 $0x0  }
0x4b: {  	[sflag:s8] =	ssyncadd.s32 @!p0 $0xFFFFFFF0  }
0x4c: {  	_ =	swait.ge [sflag:s28], $0x19000  }
0x4d: {  	[sflag:s28] =	ssyncset.done $0x0  }
0x4e: {  	s8 =	simm.s32 $0x0;
	[sflag:s28] =	ssyncadd.s32 $0xFFFE7000  }
0x4f: {  	v2 =	vld [tilespmem:s8+$0xE0]  }
0x50: {  	v3 =	vld [tilespmem:s8+$0xD0]  }
0x51: {  	v4 =	vld [tilespmem:s8+$0x20]  }
0x52: {  	v5 =	vld [tilespmem:s8+$0x10]  }
0x53: {  	v6 =	vld [tilespmem:s8+$0x0]  }
0x54: {  	v7 =	vld [tilespmem:s8+$0x50];
	_ =	sdelay $0x2  }
0x55: {  	v9 =	vsub.s32 v4, v0  }
0x56: {  	v8 =	vld [tilespmem:s8+$0x90];
	v2 =	vsub.s32 v2, v0;
	v3 =	vsub.s32 v3, v0;
	v6 =	vsub.s32 v6, v0  }
0x57: {  	v11 =	vld [tilespmem:s8+$0x40];
	v5 =	vsub.s32 v5, v0;
	v14 =	vsub.s32 v7, v0;
	v10 =	vand.u32 $0x7FF, v9  }
0x58: {  	v13 =	vld [tilespmem:s8+$0x80];
	vm0 =	vlt.u32 v3, $0x3D090;
	v12 =	vand.u32 $0x7FF, v2;
	v7 =	vand.u32 $0x7FF, v3  }
0x59: {  	v17 =	vld [tilespmem:s8+$0xF0];
	v15 =	vand.u32 $0x7FF, v5;
	v16 =	vand.u32 $0x7FF, v14;
	vm1 =	vlt.u32 v14, $0x3D090  }
0x5a: {  	v21 =	vld [tilespmem:s8+$0x60];
	vm2 =	vlt.u32 v2, $0x3D090;
	vm3 =	vlt.u32 v9, $0x3D090;
	vm4 =	vlt.u32 v5, $0x3D090  }
0x5b: {  	v4 =	vld [tilespmem:s8+$0xC0];
	v7 =	vadd.s32 $0x3D090, v7;
	v12 =	vadd.s32 $0x3D090, v12;
	v16 =	vadd.s32 $0x3D090, v16  }
0x5c: {  	v10 =	vadd.s32 $0x3D090, v10;
	v15 =	vadd.s32 $0x3D090, v15;
	v7 =	vsel vm0, v3, v7  }
0x5d: {  	v12 =	vsel vm2, v2, v12;
	v3 =	vand.u32 $0x7FF, v6;
	v2 =	vsub.s32 v11, v0  }
0x5e: {  	v18 =	vld [tilespmem:s8+$0xA0];
	v9 =	vsel vm3, v9, v10;
	v10 =	vsel vm1, v14, v16;
	v11 =	vadd.s32 $0x3D090, v3  }
0x5f: {  	v19 =	vld [tilespmem:s8+$0x70];
	v3 =	vsub.s32 v13, v0;
	v13 =	vsub.s32 v8, v0;
	[tilespmem:s8+$0xD0] =	vst v7;
	v8 =	vsub.s32 v17, v0  }
0x60: {  	v20 =	vld [tilespmem:s8+$0xB0];
	[tilespmem:s8+$0x20] =	vst v9;
	v9 =	vsub.s32 v21, v0;
	v7 =	vand.u32 $0x7FF, v13;
	v4 =	vsub.s32 v4, v0  }
0x61: {  	v17 =	vand.u32 $0x7FF, v8;
	vm2 =	vlt.u32 v8, $0x3D090;
	vm1 =	vlt.u32 v13, $0x3D090  }
0x62: {  	[tilespmem:s8+$0xE0] =	vst v12;
	v12 =	vadd.s32 $0x3D090, v7;
	vm0 =	vlt.u32 v4, $0x3D090;
	v17 =	vadd.s32 $0x3D090, v17  }
0x63: {  	v7 =	vsub.s32 v18, v0;
	v8 =	vsel vm2, v8, v17;
	vm2 =	vlt.u32 v6, $0x3D090  }
0x64: {  	v12 =	vsel vm1, v13, v12;
	v13 =	vand.u32 $0x7FF, v7;
	[tilespmem:s8+$0xF0] =	vst v8;
	v11 =	vsel vm2, v6, v11  }
0x65: {  	v6 =	vsel vm4, v5, v15;
	v5 =	vsub.s32 v19, v0;
	v8 =	vsub.s32 v20, v0;
	[tilespmem:s8+$0x90] =	vst v12  }
0x66: {  	s9 =	simm.s32 $0x400;
	v12 =	vadd.s32 $0x3D090, v13;
	[tilespmem:s8+$0x10] =	vst v6;
	v6 =	vand.u32 $0x7FF, v5;
	v13 =	vand.u32 $0x7FF, v8  }
.LBB2_2:
0x67: {  	s10 =	sshra.s32 s9, $0x2;
	p1 =	sne.s32 s9, $0x63C00;
	s9 =	sadd.s32 $0x400, s9;
	[tilespmem:s8+$0x0] =	vst v11;
	v11 =	vld [tilespmem:s8+$0x30];
	vm2 =	vlt.u32 v9, $0x3D090;
	v14 =	vand.u32 $0x7FF, v9;
	v15 =	vand.u32 $0x7FF, v4  }
0x68: {  	vm3 =	vlt.u32 v7, $0x3D090;
	vm4 =	vlt.u32 v8, $0x3D090;
	v16 =	vld [tilespmem:s10+$0xE0];
	[tilespmem:s8+$0x50] =	vst v10;
	v10 =	vadd.s32 $0x3D090, v14  }
0x69: {  	vm1 =	vlt.u32 v5, $0x3D090;
	v7 =	vsel vm3, v7, v12;
	v12 =	vadd.s32 $0x3D090, v13;
	v14 =	vld [tilespmem:s10+$0xD0]  }
0x6a: {  	v9 =	vsel vm2, v9, v10;
	v10 =	vand.u32 $0x7FF, v3;
	v8 =	vsel vm4, v8, v12;
	v13 =	vld [tilespmem:s10+$0x20]  }
0x6b: {  	vm2 =	vlt.u32 v3, $0x3D090;
	v10 =	vadd.s32 $0x3D090, v10;
	v12 =	vld [tilespmem:s10+$0x10];
	[tilespmem:s8+$0xB0] =	vst v8;
	v8 =	vadd.s32 $0x3D090, v15  }
0x6c: {  	v17 =	vand.u32 $0x7FF, v2;
	v3 =	vsel vm2, v3, v10;
	v15 =	vld [tilespmem:s10+$0x0];
	[tilespmem:s8+$0xA0] =	vst v7;
	v4 =	vsel vm0, v4, v8  }
0x6d: {  	v10 =	vadd.s32 $0x3D090, v17;
	v8 =	vsub.s32 v11, v0;
	vm0 =	vlt.u32 v2, $0x3D090;
	v7 =	vld [tilespmem:s10+$0x90];
	[tilespmem:s8+$0x60] =	vst v9  }
0x6e: {  	vm2 =	vlt.u32 v8, $0x3D090;
	v11 =	vand.u32 $0x7FF, v8;
	v2 =	vsel vm0, v2, v10;
	v9 =	vld [tilespmem:s10+$0x50];
	[tilespmem:s8+$0xC0] =	vst v4  }
0x6f: {  	v6 =	vadd.s32 $0x3D090, v6;
	v11 =	vadd.s32 $0x3D090, v11;
	v10 =	vsub.s32 v13, v0;
	v4 =	vld [tilespmem:s10+$0xC0];
	[tilespmem:s8+$0x80] =	vst v3  }
0x70: {  	v16 =	vsub.s32 v16, v0;
	v13 =	vand.u32 $0x7FF, v10;
	v3 =	vld [tilespmem:s10+$0x80];
	[tilespmem:s8+$0x40] =	vst v2;
	v2 =	vsel vm1, v5, v6  }
0x71: {  	v14 =	vsub.s32 v14, v0;
	v8 =	vsel vm2, v8, v11;
	v5 =	vsub.s32 v15, v0;
	v6 =	vld [tilespmem:s10+$0x40];
	[tilespmem:s8+$0x70] =	vst v2  }
0x72: {  	vm0 =	vlt.u32 v14, $0x3D090;
	v2 =	vand.u32 $0x7FF, v16;
	v15 =	vld [tilespmem:s10+$0x70];
	[tilespmem:s8+$0x30] =	vst v8;
	s8 =	smov.u32 s10  }
0x73: {  	v11 =	vand.u32 $0x7FF, v14;
	v8 =	vsub.s32 v12, v0;
	v9 =	vsub.s32 v9, v0;
	v12 =	vld [tilespmem:s8+$0xB0]  }
0x74: {  	v11 =	vadd.s32 $0x3D090, v11;
	v17 =	vand.u32 $0x7FF, v8;
	v18 =	vand.u32 $0x7FF, v9;
	v19 =	vld [tilespmem:s8+$0xF0]  }
0x75: {  	vm3 =	vlt.u32 v16, $0x3D090;
	v2 =	vadd.s32 $0x3D090, v2;
	vm1 =	vlt.u32 v9, $0x3D090;
	v20 =	vld [tilespmem:s8+$0xA0]  }
0x76: {  	vm2 =	vlt.u32 v10, $0x3D090;
	v11 =	vsel vm0, v14, v11;
	v14 =	vsel vm3, v16, v2  }
0x77: {  	v16 =	vand.u32 $0x7FF, v5;
	v2 =	vsub.s32 v6, v0;
	v6 =	vadd.s32 $0x3D090, v18;
	[tilespmem:s8+$0xD0] =	vst v11  }
0x78: {  	v3 =	vsub.s32 v3, v0;
	v11 =	vadd.s32 $0x3D090, v16;
	v16 =	vsub.s32 v7, v0;
	[tilespmem:s8+$0xE0] =	vst v14  }
0x79: {  	v4 =	vsub.s32 v4, v0;
	v7 =	vand.u32 $0x7FF, v16;
	v14 =	vsub.s32 v19, v0  }
0x7a: {  	vm0 =	vlt.u32 v4, $0x3D090;
	v18 =	vadd.s32 $0x3D090, v7;
	v19 =	vand.u32 $0x7FF, v14  }
0x7b: {  	v7 =	vsub.s32 v20, v0;
	vm3 =	vlt.u32 v14, $0x3D090;
	v21 =	vld [tilespmem:s8+$0x60];
	v19 =	vadd.s32 $0x3D090, v19  }
0x7c: {  	v13 =	vadd.s32 $0x3D090, v13;
	vm4 =	vlt.u32 v8, $0x3D090;
	v14 =	vsel vm3, v14, v19  }
.Ltmp0:
0x7d: {  	v13 =	vsel vm2, v10, v13;
	v17 =	vadd.s32 $0x3D090, v17;
	vm3 =	vlt.u32 v5, $0x3D090;
	[tilespmem:s8+$0xF0] =	vst v14;
	(pc) =	sbr.rel @p1 .LBB2_2-.Ltmp0, $4  }
0x7e: {  	v10 =	vsel vm1, v9, v6;
	v11 =	vsel vm3, v5, v11;
	v14 =	vsel vm4, v8, v17  }
0x7f: {  	vm1 =	vlt.u32 v16, $0x3D090;
	v5 =	vsub.s32 v15, v0;
	v8 =	vsub.s32 v12, v0;
	[tilespmem:s8+$0x20] =	vst v13  }
0x80: {  	v12 =	vsel vm1, v16, v18;
	v13 =	vand.u32 $0x7FF, v7;
	[tilespmem:s8+$0x10] =	vst v14;
	v9 =	vsub.s32 v21, v0  }
0x81: {  	v6 =	vand.u32 $0x7FF, v5;
	[tilespmem:s8+$0x90] =	vst v12;
	v12 =	vadd.s32 $0x3D090, v13;
	v13 =	vand.u32 $0x7FF, v8  }
0x82: {  	vm1 =	vlt.u32 v9, $0x3D090;
	v55 =	vand.u32 $0x7FF, v9;
	v14 =	vand.u32 $0x7FF, v4  }
0x83: {  	[tilespmem:s8+$0x0] =	vst v11;
	v15 =	vld [tilespmem:s8+$0x30];
	vm2 =	vlt.u32 v8, $0x3D090;
	v13 =	vadd.s32 $0x3D090, v13;
	vm3 =	vlt.u32 v7, $0x3D090  }
0x84: {  	[tilespmem:s8+$0x50] =	vst v10;
	vm4 =	vlt.u32 v5, $0x3D090;
	v57 =	vand.u32 $0x7FF, v3;
	v8 =	vsel vm2, v8, v13  }
0x85: {  	vm13 =	vlt.u32 v3, $0x3D090;
	v11 =	vadd.s32 $0x3D090, v55;
	v7 =	vsel vm3, v7, v12;
	[tilespmem:s8+$0xB0] =	vst v8  }
0x86: {  	v60 =	vand.u32 $0x7FF, v2;
	v59 =	vadd.s32 $0x3D090, v14;
	v56 =	vsel vm1, v9, v11;
	[tilespmem:s8+$0xA0] =	vst v7  }
0x87: {  	vm14 =	vlt.u32 v2, $0x3D090;
	v58 =	vadd.s32 $0x3D090, v57;
	v61 =	vsel vm0, v4, v59;
	[tilespmem:s8+$0x60] =	vst v56  }
0x88: {  	v3 =	vsel vm13, v3, v58;
	v7 =	vadd.s32 $0x3D090, v60;
	[tilespmem:s8+$0xC0] =	vst v61;
	v62 =	vsub.s32 v15, v0  }
0x89: {  	v6 =	vadd.s32 $0x3D090, v6;
	v2 =	vsel vm14, v2, v7;
	[tilespmem:s8+$0x80] =	vst v3;
	v63 =	vand.u32 $0x7FF, v62  }
0x8a: {  	[tilespmem:s8+$0x40] =	vst v2;
	v2 =	vsel vm4, v5, v6;
	vm15 =	vlt.u32 v62, $0x3D090;
	v3 =	vadd.s32 $0x3D090, v63  }
0x8b: {  	[tilespmem:s8+$0x70] =	vst v2;
	v3 =	vsel vm15, v62, v3  }
0x8c: {  	[tilespmem:s8+$0x30] =	vst v3  }
0x8d: {  	s8 =	simm.s32 $0x0;
	[bflag:$0x0] =	sbarrier.arrive $0xFFFF  }
.LBB2_4:
0x8e: {  	p1 =	sne.s32 s8, $0x63E00  }
.Ltmp1:
0x8f: {  	_ = 	snop;
	(pc) =	sbr.rel @p1 .LBB2_4-.Ltmp1, $3  }
0x90: {  	_ =	sdelay $0x1  }
0x91: {  	s9 =	sshra.s32 s8, $0x2;
	s8 =	sadd.s32 $0x200, s8  }
0x92: {  	[spmem:s1] =	stream.indirect.scatter [tilespmem:s5], [sflag:$0x4], $0x1, s9, s4, $0xb8;
	[tilespmem:$0x1F790] =	vst v63  }
0x93: {  	_ =	swait.ge [sflag:s6], $0x80  }
0x94: {  	s8 =	simm.s32 $0x31F;
	[sflag:s6] =	ssyncset.done $0x0  }
.LBB2_6:
0x95: {  	p1 =	sne.s32 s8, $0x1;
	s8 =	sadd.s32 $0xFFFFFFFF, s8;
	[sflag:s6] =	ssyncadd.s32 $0xFFFFFF80  }
.Ltmp2:
0x96: {  	(pc) =	sbr.rel @p1 .LBB2_6-.Ltmp2, $3  }
0x97: {  	_ =	sdelay $0x1  }
0x98: {  	_ =	swait.ge [sflag:s6], $0x80  }
0x99: {  	[sflag:s6] =	ssyncset.done $0x0  }
0x9a: {  	[sflag:s6] =	ssyncadd.s32 $0xFFFFFF80  }
0x9b: {  	[bflag:$0x0] =	sbarrier.arrive $0xFFFF  }
0x9c: {  	[tilespmem:s2], [sflag:$0x1] =	stream.linear.gather [hbm4b:s3+s2], $0x19000, $0x38;
	[tilespmem:$0x1F790] =	vst v63  }
0x9d: {  	_ = 	snop  }
0x9e: {  	[tilespmem:s30], [sflag:$0x5] =	stream.linear.gather [spmem:s22], $0x1458, $0x38;
	[tilespmem:$0x1F790] =	vst v63  }
0x9f: {  	_ =	swait.ge [sflag:s29], $0x1458  }
0xa0: {  	[sflag:s29] =	ssyncset.done $0x0  }
0xa1: {  	s8 =	rddreg [dreg:$0xa];
	[sflag:s29] =	ssyncadd.s32 $0xFFFFEBA8  }
0xa2: {  	[hbm4b:s8+s2] =	stream.linear.scatter [tilespmem:s30], [sflag:$0x2], $0x1458, $0x38;
	[tilespmem:$0x1F790] =	vst v63  }
0xa3: {  	_ = 	snop  }
0xa4: {  	[tilespmem:s31], [sflag:$0x5] =	stream.linear.gather [spmem:s24], $0x1458, $0x38;
	[tilespmem:$0x1F790] =	vst v63  }
0xa5: {  	_ =	swait.ge [sflag:s29], $0x1458  }
0xa6: {  	[sflag:s29] =	ssyncset.done $0x0  }
0xa7: {  	s9 =	rddreg [dreg:$0xb];
	[sflag:s29] =	ssyncadd.s32 $0xFFFFEBA8  }
0xa8: {  	[hbm4b:s9+s2] =	stream.linear.scatter [tilespmem:s31], [sflag:$0x3], $0x1458, $0x38;
	[tilespmem:$0x1F790] =	vst v63  }
0xa9: {  	_ =	swait.ge [sflag:s13], $0x1458  }
0xaa: {  	[sflag:s13] =	ssyncset.done $0x0  }
0xab: {  	[sflag:s13] =	ssyncadd.s32 $0xFFFFEBA8  }
0xac: {  	[tilespmem:s30], [sflag:$0x5] =	stream.linear.gather [spmem:s25], $0x1458, $0x38;
	[tilespmem:$0x1F790] =	vst v63  }
0xad: {  	_ =	swait.ge [sflag:s29], $0x1458  }
0xae: {  	[sflag:s29] =	ssyncset.done $0x0  }
0xaf: {  	s10 =	rddreg [dreg:$0xc];
	[sflag:s29] =	ssyncadd.s32 $0xFFFFEBA8  }
0xb0: {  	[hbm4b:s10+s2] =	stream.linear.scatter [tilespmem:s30], [sflag:$0x2], $0x1458, $0x38;
	[tilespmem:$0x1F790] =	vst v63  }
0xb1: {  	_ =	swait.ge [sflag:s13], $0x1458  }
0xb2: {  	[sflag:s13] =	ssyncset.done $0x0  }
0xb3: {  	[sflag:s13] =	ssyncadd.s32 $0xFFFFEBA8  }
0xb4: {  	_ =	swait.ge [sflag:s0], $0x1458  }
0xb5: {  	[sflag:s0] =	ssyncset.done $0x0  }
0xb6: {  	s8 =	simm.s32 @!p0 $0x19100;
	s9 =	simm.s32 @!p0 $0x5;
	[sflag:s0] =	ssyncadd.s32 $0xFFFFEBA8  }
0xb7: {  	[tilespmem:s8], [sflag:$0x5] =	stream.linear.gather @!p0 [spmem:s26], $0x10, $0x38;
	[tilespmem:$0x1F790] =	vst v63  }
0xb8: {  	_ =	swait.ge @!p0 [sflag:s9], $0x10  }
0xb9: {  	[sflag:s9] =	ssyncset.done @!p0 $0x0  }
0xba: {  	s10 =	simm.s32 @!p0 $0x0;
	[sflag:s9] =	ssyncadd.s32 @!p0 $0xFFFFFFF0  }
0xbb: {  	[hbm4b:s11+s10] =	stream.linear.scatter @!p0 [tilespmem:s8], [sflag:$0x5], $0x10, $0x38;
	[tilespmem:$0x1F790] =	vst v63  }
0xbc: {  	_ =	swait.ge @!p0 [sflag:s9], $0x10  }
0xbd: {  	[sflag:s9] =	ssyncset.done @!p0 $0x0  }
0xbe: {  	[sflag:s9] =	ssyncadd.s32 @!p0 $0xFFFFFFF0  }
0xbf: {  	[tilespmem:s30], [sflag:$0x2] =	stream.linear.gather [hbm4b:s12+s2], $0x1458, $0x38;
	[tilespmem:$0x1F790] =	vst v63  }
0xc0: {  	_ = 	snop  }
0xc1: {  	[tilespmem:s31], [sflag:$0x3] =	stream.linear.gather [hbm4b:s14+s2], $0x1458, $0x38;
	[tilespmem:$0x1F790] =	vst v63  }
0xc2: {  	_ =	swait.ge [sflag:s13], $0x1458  }
0xc3: {  	[sflag:s13] =	ssyncset.done $0x0  }
0xc4: {  	[sflag:s13] =	ssyncadd.s32 $0xFFFFEBA8  }
0xc5: {  	[spmem:s22] =	stream.linear.scatter [tilespmem:s30], [sflag:$0x5], $0x1458, $0x38;
	[tilespmem:$0x1F790] =	vst v63  }
0xc6: {  	_ =	swait.ge [sflag:s29], $0x1458  }
0xc7: {  	[sflag:s29] =	ssyncset.done $0x0  }
0xc8: {  	[sflag:s29] =	ssyncadd.s32 $0xFFFFEBA8  }
0xc9: {  	[tilespmem:s30], [sflag:$0x2] =	stream.linear.gather [hbm4b:s15+s2], $0x1458, $0x38;
	[tilespmem:$0x1F790] =	vst v63  }
0xca: {  	_ =	swait.ge [sflag:s0], $0x1458  }
0xcb: {  	[sflag:s0] =	ssyncset.done $0x0  }
0xcc: {  	[sflag:s0] =	ssyncadd.s32 $0xFFFFEBA8  }
0xcd: {  	[spmem:s24] =	stream.linear.scatter [tilespmem:s31], [sflag:$0x5], $0x1458, $0x38;
	[tilespmem:$0x1F790] =	vst v63  }
0xce: {  	_ =	swait.ge [sflag:s29], $0x1458  }
0xcf: {  	[sflag:s29] =	ssyncset.done $0x0  }
0xd0: {  	[sflag:s29] =	ssyncadd.s32 $0xFFFFEBA8  }
0xd1: {  	_ =	swait.ge [sflag:s13], $0x1458  }
0xd2: {  	[sflag:s13] =	ssyncset.done $0x0  }
0xd3: {  	[sflag:s13] =	ssyncadd.s32 $0xFFFFEBA8  }
0xd4: {  	[spmem:s25] =	stream.linear.scatter [tilespmem:s30], [sflag:$0x5], $0x1458, $0x38;
	[tilespmem:$0x1F790] =	vst v63  }
0xd5: {  	_ =	swait.ge [sflag:s29], $0x1458  }
0xd6: {  	[sflag:s29] =	ssyncset.done $0x0  }
0xd7: {  	[sflag:s29] =	ssyncadd.s32 $0xFFFFEBA8  }
0xd8: {  	[tilespmem:s8], [sflag:$0x5] =	stream.linear.gather @!p0 [hbm4b:s16+s10], $0x10, $0x38;
	[tilespmem:$0x1F790] =	vst v63  }
0xd9: {  	_ =	swait.ge @!p0 [sflag:s9], $0x10  }
0xda: {  	[sflag:s9] =	ssyncset.done @!p0 $0x0  }
0xdb: {  	[sflag:s9] =	ssyncadd.s32 @!p0 $0xFFFFFFF0  }
0xdc: {  	[spmem:s26] =	stream.linear.scatter @!p0 [tilespmem:s8], [sflag:$0x5], $0x10, $0x38;
	[tilespmem:$0x1F790] =	vst v63  }
0xdd: {  	_ =	swait.ge @!p0 [sflag:s9], $0x10  }
0xde: {  	[sflag:s9] =	ssyncset.done @!p0 $0x0  }
0xdf: {  	[sflag:s9] =	ssyncadd.s32 @!p0 $0xFFFFFFF0  }
0xe0: {  	_ =	swait.ge [sflag:s28], $0x19000  }
0xe1: {  	[sflag:s28] =	ssyncset.done $0x0  }
0xe2: {  	s8 =	simm.s32 $0x0;
	[sflag:s28] =	ssyncadd.s32 $0xFFFE7000  }
0xe3: {  	v2 =	vld [tilespmem:s8+$0xE0]  }
0xe4: {  	v3 =	vld [tilespmem:s8+$0xD0]  }
0xe5: {  	v4 =	vld [tilespmem:s8+$0x20]  }
0xe6: {  	v5 =	vld [tilespmem:s8+$0x10]  }
0xe7: {  	v6 =	vld [tilespmem:s8+$0x0]  }
0xe8: {  	v7 =	vld [tilespmem:s8+$0x50];
	_ =	sdelay $0x2  }
0xe9: {  	v9 =	vsub.s32 v4, v1  }
0xea: {  	v8 =	vld [tilespmem:s8+$0x90];
	v2 =	vsub.s32 v2, v1;
	v3 =	vsub.s32 v3, v1;
	v6 =	vsub.s32 v6, v1  }
0xeb: {  	v11 =	vld [tilespmem:s8+$0x40];
	v5 =	vsub.s32 v5, v1;
	v14 =	vsub.s32 v7, v1;
	v10 =	vand.u32 $0x7FF, v9  }
0xec: {  	v13 =	vld [tilespmem:s8+$0x80];
	vm0 =	vlt.u32 v3, $0x3D090;
	v12 =	vand.u32 $0x7FF, v2;
	v7 =	vand.u32 $0x7FF, v3  }
0xed: {  	v17 =	vld [tilespmem:s8+$0xF0];
	v15 =	vand.u32 $0x7FF, v5;
	v16 =	vand.u32 $0x7FF, v14;
	vm1 =	vlt.u32 v14, $0x3D090  }
0xee: {  	v21 =	vld [tilespmem:s8+$0x60];
	vm2 =	vlt.u32 v2, $0x3D090;
	vm3 =	vlt.u32 v9, $0x3D090;
	vm4 =	vlt.u32 v5, $0x3D090  }
0xef: {  	v4 =	vld [tilespmem:s8+$0xC0];
	v7 =	vadd.s32 $0x3D090, v7;
	v12 =	vadd.s32 $0x3D090, v12;
	v16 =	vadd.s32 $0x3D090, v16  }
0xf0: {  	v10 =	vadd.s32 $0x3D090, v10;
	v15 =	vadd.s32 $0x3D090, v15;
	v7 =	vsel vm0, v3, v7  }
0xf1: {  	v12 =	vsel vm2, v2, v12;
	v3 =	vand.u32 $0x7FF, v6;
	v2 =	vsub.s32 v11, v1  }
0xf2: {  	v18 =	vld [tilespmem:s8+$0xA0];
	v9 =	vsel vm3, v9, v10;
	v10 =	vsel vm1, v14, v16;
	v11 =	vadd.s32 $0x3D090, v3  }
0xf3: {  	v19 =	vld [tilespmem:s8+$0x70];
	v3 =	vsub.s32 v13, v1;
	v13 =	vsub.s32 v8, v1;
	[tilespmem:s8+$0xD0] =	vst v7;
	v8 =	vsub.s32 v17, v1  }
0xf4: {  	v20 =	vld [tilespmem:s8+$0xB0];
	[tilespmem:s8+$0x20] =	vst v9;
	v9 =	vsub.s32 v21, v1;
	v7 =	vand.u32 $0x7FF, v13;
	v4 =	vsub.s32 v4, v1  }
0xf5: {  	v17 =	vand.u32 $0x7FF, v8;
	vm2 =	vlt.u32 v8, $0x3D090;
	vm1 =	vlt.u32 v13, $0x3D090  }
0xf6: {  	[tilespmem:s8+$0xE0] =	vst v12;
	v12 =	vadd.s32 $0x3D090, v7;
	vm0 =	vlt.u32 v4, $0x3D090;
	v17 =	vadd.s32 $0x3D090, v17  }
0xf7: {  	v7 =	vsub.s32 v18, v1;
	v8 =	vsel vm2, v8, v17;
	vm2 =	vlt.u32 v6, $0x3D090  }
0xf8: {  	v12 =	vsel vm1, v13, v12;
	v13 =	vand.u32 $0x7FF, v7;
	[tilespmem:s8+$0xF0] =	vst v8;
	v11 =	vsel vm2, v6, v11  }
0xf9: {  	v6 =	vsel vm4, v5, v15;
	v5 =	vsub.s32 v19, v1;
	v8 =	vsub.s32 v20, v1;
	[tilespmem:s8+$0x90] =	vst v12  }
0xfa: {  	s9 =	simm.s32 $0x400;
	v12 =	vadd.s32 $0x3D090, v13;
	[tilespmem:s8+$0x10] =	vst v6;
	v6 =	vand.u32 $0x7FF, v5;
	v13 =	vand.u32 $0x7FF, v8  }
.LBB2_8:
0xfb: {  	s10 =	sshra.s32 s9, $0x2;
	p1 =	sne.s32 s9, $0x63C00;
	s9 =	sadd.s32 $0x400, s9;
	[tilespmem:s8+$0x0] =	vst v11;
	v11 =	vld [tilespmem:s8+$0x30];
	vm2 =	vlt.u32 v9, $0x3D090;
	v14 =	vand.u32 $0x7FF, v9;
	v15 =	vand.u32 $0x7FF, v4  }
0xfc: {  	vm3 =	vlt.u32 v7, $0x3D090;
	vm4 =	vlt.u32 v8, $0x3D090;
	v16 =	vld [tilespmem:s10+$0xE0];
	[tilespmem:s8+$0x50] =	vst v10;
	v10 =	vadd.s32 $0x3D090, v14  }
0xfd: {  	vm1 =	vlt.u32 v5, $0x3D090;
	v7 =	vsel vm3, v7, v12;
	v12 =	vadd.s32 $0x3D090, v13;
	v14 =	vld [tilespmem:s10+$0xD0]  }
0xfe: {  	v9 =	vsel vm2, v9, v10;
	v10 =	vand.u32 $0x7FF, v3;
	v8 =	vsel vm4, v8, v12;
	v13 =	vld [tilespmem:s10+$0x20]  }
0xff: {  	vm2 =	vlt.u32 v3, $0x3D090;
	v10 =	vadd.s32 $0x3D090, v10;
	v12 =	vld [tilespmem:s10+$0x10];
	[tilespmem:s8+$0xB0] =	vst v8;
	v8 =	vadd.s32 $0x3D090, v15  }
0x100: {  	v17 =	vand.u32 $0x7FF, v2;
	v3 =	vsel vm2, v3, v10;
	v15 =	vld [tilespmem:s10+$0x0];
	[tilespmem:s8+$0xA0] =	vst v7;
	v4 =	vsel vm0, v4, v8  }
0x101: {  	v10 =	vadd.s32 $0x3D090, v17;
	v8 =	vsub.s32 v11, v1;
	vm0 =	vlt.u32 v2, $0x3D090;
	v7 =	vld [tilespmem:s10+$0x90];
	[tilespmem:s8+$0x60] =	vst v9  }
0x102: {  	vm2 =	vlt.u32 v8, $0x3D090;
	v11 =	vand.u32 $0x7FF, v8;
	v2 =	vsel vm0, v2, v10;
	v9 =	vld [tilespmem:s10+$0x50];
	[tilespmem:s8+$0xC0] =	vst v4  }
0x103: {  	v6 =	vadd.s32 $0x3D090, v6;
	v11 =	vadd.s32 $0x3D090, v11;
	v10 =	vsub.s32 v13, v1;
	v4 =	vld [tilespmem:s10+$0xC0];
	[tilespmem:s8+$0x80] =	vst v3  }
0x104: {  	v16 =	vsub.s32 v16, v1;
	v13 =	vand.u32 $0x7FF, v10;
	v3 =	vld [tilespmem:s10+$0x80];
	[tilespmem:s8+$0x40] =	vst v2;
	v2 =	vsel vm1, v5, v6  }
0x105: {  	v14 =	vsub.s32 v14, v1;
	v8 =	vsel vm2, v8, v11;
	v5 =	vsub.s32 v15, v1;
	v6 =	vld [tilespmem:s10+$0x40];
	[tilespmem:s8+$0x70] =	vst v2  }
0x106: {  	vm0 =	vlt.u32 v14, $0x3D090;
	v2 =	vand.u32 $0x7FF, v16;
	v15 =	vld [tilespmem:s10+$0x70];
	[tilespmem:s8+$0x30] =	vst v8;
	s8 =	smov.u32 s10  }
0x107: {  	v11 =	vand.u32 $0x7FF, v14;
	v8 =	vsub.s32 v12, v1;
	v9 =	vsub.s32 v9, v1;
	v12 =	vld [tilespmem:s8+$0xB0]  }
0x108: {  	v11 =	vadd.s32 $0x3D090, v11;
	v17 =	vand.u32 $0x7FF, v8;
	v18 =	vand.u32 $0x7FF, v9;
	v19 =	vld [tilespmem:s8+$0xF0]  }
0x109: {  	vm3 =	vlt.u32 v16, $0x3D090;
	v2 =	vadd.s32 $0x3D090, v2;
	vm1 =	vlt.u32 v9, $0x3D090;
	v20 =	vld [tilespmem:s8+$0xA0]  }
0x10a: {  	vm2 =	vlt.u32 v10, $0x3D090;
	v11 =	vsel vm0, v14, v11;
	v14 =	vsel vm3, v16, v2  }
0x10b: {  	v16 =	vand.u32 $0x7FF, v5;
	v2 =	vsub.s32 v6, v1;
	v6 =	vadd.s32 $0x3D090, v18;
	[tilespmem:s8+$0xD0] =	vst v11  }
0x10c: {  	v3 =	vsub.s32 v3, v1;
	v11 =	vadd.s32 $0x3D090, v16;
	v16 =	vsub.s32 v7, v1;
	[tilespmem:s8+$0xE0] =	vst v14  }
0x10d: {  	v4 =	vsub.s32 v4, v1;
	v7 =	vand.u32 $0x7FF, v16;
	v14 =	vsub.s32 v19, v1  }
0x10e: {  	vm0 =	vlt.u32 v4, $0x3D090;
	v18 =	vadd.s32 $0x3D090, v7;
	v19 =	vand.u32 $0x7FF, v14  }
0x10f: {  	v7 =	vsub.s32 v20, v1;
	vm3 =	vlt.u32 v14, $0x3D090;
	v21 =	vld [tilespmem:s8+$0x60];
	v19 =	vadd.s32 $0x3D090, v19  }
0x110: {  	v13 =	vadd.s32 $0x3D090, v13;
	vm4 =	vlt.u32 v8, $0x3D090;
	v14 =	vsel vm3, v14, v19  }
.Ltmp3:
0x111: {  	v13 =	vsel vm2, v10, v13;
	v17 =	vadd.s32 $0x3D090, v17;
	vm3 =	vlt.u32 v5, $0x3D090;
	[tilespmem:s8+$0xF0] =	vst v14;
	(pc) =	sbr.rel @p1 .LBB2_8-.Ltmp3, $4  }
0x112: {  	v10 =	vsel vm1, v9, v6;
	v11 =	vsel vm3, v5, v11;
	v14 =	vsel vm4, v8, v17  }
0x113: {  	vm1 =	vlt.u32 v16, $0x3D090;
	v5 =	vsub.s32 v15, v1;
	v8 =	vsub.s32 v12, v1;
	[tilespmem:s8+$0x20] =	vst v13  }
0x114: {  	v12 =	vsel vm1, v16, v18;
	v13 =	vand.u32 $0x7FF, v7;
	[tilespmem:s8+$0x10] =	vst v14;
	v9 =	vsub.s32 v21, v1  }
0x115: {  	v6 =	vand.u32 $0x7FF, v5;
	[tilespmem:s8+$0x90] =	vst v12;
	v12 =	vadd.s32 $0x3D090, v13;
	v13 =	vand.u32 $0x7FF, v8  }
0x116: {  	vm1 =	vlt.u32 v9, $0x3D090;
	v55 =	vand.u32 $0x7FF, v9;
	v14 =	vand.u32 $0x7FF, v4  }
0x117: {  	[tilespmem:s8+$0x0] =	vst v11;
	v15 =	vld [tilespmem:s8+$0x30];
	vm2 =	vlt.u32 v8, $0x3D090;
	v13 =	vadd.s32 $0x3D090, v13;
	vm3 =	vlt.u32 v7, $0x3D090  }
0x118: {  	[tilespmem:s8+$0x50] =	vst v10;
	vm4 =	vlt.u32 v5, $0x3D090;
	v57 =	vand.u32 $0x7FF, v3;
	v8 =	vsel vm2, v8, v13  }
0x119: {  	vm13 =	vlt.u32 v3, $0x3D090;
	v11 =	vadd.s32 $0x3D090, v55;
	v7 =	vsel vm3, v7, v12;
	[tilespmem:s8+$0xB0] =	vst v8  }
0x11a: {  	v60 =	vand.u32 $0x7FF, v2;
	v59 =	vadd.s32 $0x3D090, v14;
	v56 =	vsel vm1, v9, v11;
	[tilespmem:s8+$0xA0] =	vst v7  }
0x11b: {  	vm14 =	vlt.u32 v2, $0x3D090;
	v58 =	vadd.s32 $0x3D090, v57;
	v61 =	vsel vm0, v4, v59;
	[tilespmem:s8+$0x60] =	vst v56  }
0x11c: {  	v3 =	vsel vm13, v3, v58;
	v7 =	vadd.s32 $0x3D090, v60;
	[tilespmem:s8+$0xC0] =	vst v61;
	v62 =	vsub.s32 v15, v1  }
0x11d: {  	v6 =	vadd.s32 $0x3D090, v6;
	v2 =	vsel vm14, v2, v7;
	[tilespmem:s8+$0x80] =	vst v3;
	v63 =	vand.u32 $0x7FF, v62  }
0x11e: {  	[tilespmem:s8+$0x40] =	vst v2;
	v2 =	vsel vm4, v5, v6;
	vm15 =	vlt.u32 v62, $0x3D090;
	v3 =	vadd.s32 $0x3D090, v63  }
0x11f: {  	[tilespmem:s8+$0x70] =	vst v2;
	v3 =	vsel vm15, v62, v3  }
0x120: {  	[tilespmem:s8+$0x30] =	vst v3  }
0x121: {  	s8 =	simm.s32 $0x0;
	[bflag:$0x0] =	sbarrier.arrive $0xFFFF  }
.LBB2_10:
0x122: {  	p1 =	sne.s32 s8, $0x63E00  }
.Ltmp4:
0x123: {  	_ = 	snop;
	(pc) =	sbr.rel @p1 .LBB2_10-.Ltmp4, $3  }
0x124: {  	_ =	sdelay $0x1  }
0x125: {  	s9 =	sshra.s32 s8, $0x2;
	s8 =	sadd.s32 $0x200, s8  }
0x126: {  	[spmem:s1] =	stream.indirect.scatter [tilespmem:s5], [sflag:$0x4], $0x1, s9, s4, $0xb8;
	[tilespmem:$0x1F790] =	vst v63  }
0x127: {  	_ =	swait.ge [sflag:s6], $0x80  }
0x128: {  	s8 =	simm.s32 $0x31F;
	[sflag:s6] =	ssyncset.done $0x0  }
.LBB2_12:
0x129: {  	p1 =	sne.s32 s8, $0x1;
	s8 =	sadd.s32 $0xFFFFFFFF, s8;
	[sflag:s6] =	ssyncadd.s32 $0xFFFFFF80  }
.Ltmp5:
0x12a: {  	(pc) =	sbr.rel @p1 .LBB2_12-.Ltmp5, $3  }
0x12b: {  	_ =	sdelay $0x1  }
0x12c: {  	_ =	swait.ge [sflag:s6], $0x80  }
0x12d: {  	[sflag:s6] =	ssyncset.done $0x0  }
0x12e: {  	[sflag:s6] =	ssyncadd.s32 $0xFFFFFF80  }
0x12f: {  	[bflag:$0x0] =	sbarrier.arrive $0xFFFF  }
0x130: {  	[tilespmem:s30], [sflag:$0x5] =	stream.linear.gather [spmem:s22], $0x1458, $0x38;
	[tilespmem:$0x1F790] =	vst v63  }
0x131: {  	_ =	swait.ge [sflag:s29], $0x1458  }
0x132: {  	[sflag:s29] =	ssyncset.done $0x0  }
0x133: {  	[sflag:s29] =	ssyncadd.s32 $0xFFFFEBA8  }
0x134: {  	[hbm4b:s17+s2] =	stream.linear.scatter [tilespmem:s30], [sflag:$0x2], $0x1458, $0x38;
	[tilespmem:$0x1F790] =	vst v63  }
0x135: {  	_ = 	snop  }
0x136: {  	[tilespmem:s31], [sflag:$0x5] =	stream.linear.gather [spmem:s24], $0x1458, $0x38;
	[tilespmem:$0x1F790] =	vst v63  }
0x137: {  	_ =	swait.ge [sflag:s29], $0x1458  }
0x138: {  	[sflag:s29] =	ssyncset.done $0x0  }
0x139: {  	[sflag:s29] =	ssyncadd.s32 $0xFFFFEBA8  }
0x13a: {  	[hbm4b:s18+s2] =	stream.linear.scatter [tilespmem:s31], [sflag:$0x3], $0x1458, $0x38;
	[tilespmem:$0x1F790] =	vst v63  }
0x13b: {  	_ =	swait.ge [sflag:s13], $0x1458  }
0x13c: {  	[sflag:s13] =	ssyncset.done $0x0  }
0x13d: {  	[sflag:s13] =	ssyncadd.s32 $0xFFFFEBA8  }
0x13e: {  	[tilespmem:s30], [sflag:$0x5] =	stream.linear.gather [spmem:s25], $0x1458, $0x38;
	[tilespmem:$0x1F790] =	vst v63  }
0x13f: {  	_ =	swait.ge [sflag:s29], $0x1458  }
0x140: {  	[sflag:s29] =	ssyncset.done $0x0  }
0x141: {  	[sflag:s29] =	ssyncadd.s32 $0xFFFFEBA8  }
0x142: {  	[hbm4b:s19+s2] =	stream.linear.scatter [tilespmem:s30], [sflag:$0x2], $0x1458, $0x38;
	[tilespmem:$0x1F790] =	vst v63  }
0x143: {  	_ =	swait.ge [sflag:s13], $0x1458  }
0x144: {  	[sflag:s13] =	ssyncset.done $0x0  }
0x145: {  	[sflag:s13] =	ssyncadd.s32 $0xFFFFEBA8  }
0x146: {  	_ =	swait.ge [sflag:s0], $0x1458  }
0x147: {  	[sflag:s0] =	ssyncset.done $0x0  }
0x148: {  	s8 =	simm.s32 @!p0 $0x19100;
	s9 =	simm.s32 @!p0 $0x5;
	[sflag:s0] =	ssyncadd.s32 $0xFFFFEBA8  }
0x149: {  	[tilespmem:s8], [sflag:$0x5] =	stream.linear.gather @!p0 [spmem:s26], $0x10, $0x38;
	[tilespmem:$0x1F790] =	vst v63  }
0x14a: {  	s7 =	sadd.s32 $0x1, s7;
	_ =	swait.ge @!p0 [sflag:s9], $0x10  }
0x14b: {  	p1 =	sne.s32 s7, s23;
	[sflag:s9] =	ssyncset.done @!p0 $0x0  }
.Ltmp6:
0x14c: {  	s10 =	simm.s32 @!p0 $0x0;
	[sflag:s9] =	ssyncadd.s32 @!p0 $0xFFFFFFF0;
	(pc) =	sbr.rel @p1 .LBB2_1-.Ltmp6, $4  }
0x14d: {  	[hbm4b:s20+s10] =	stream.linear.scatter @!p0 [tilespmem:s8], [sflag:$0x5], $0x10, $0x38;
	[tilespmem:$0x1F790] =	vst v63  }
0x14e: {  	_ =	swait.ge @!p0 [sflag:s9], $0x10  }
0x14f: {  	[sflag:s9] =	ssyncset.done @!p0 $0x0  }
0x150: {  	[sflag:s9] =	ssyncadd.s32 @!p0 $0xFFFFFFF0  }
0x151: {  	_ =	sfence.sel $0x180000  }
0x152: {  	[bflag:$0x0] =	sbarrier.arrive $0xFFFF  }
0x153: {  	_ =	strace $0x90000047  }
0x154: {  	s0 =	stileid.u32;
	[bflag:$0x2] =	sbarrier.arrive $0xFFFF  }
0x155: {  	p0 =	sne.s32 s0, $0x0;
	s0 =	rddreg [dreg:$0x5]  }
0x156: {  	s0 =	sadd.s32 @!p0 $0x100000, s0  }
0x157: {  	[sflag:s0] =	ssyncadd.tile.s32 @!p0 $0x1;
	_ =	shalt  }
.Lfunc_end2:
_tile_overlayer_lowered:
.L_overlay_start_2:
0x158: {  	(tag) =	ssettag $0x2  }
0x159: {  	s0 =	rddreg [dreg:$0x0];
	s2 =	stileid.u32  }
0x15a: {  	s1 =	rddreg [dreg:$0x1];
	p0 =	sne.s32 s2, $0x0  }
0x15b: {  	s3 =	rddreg [dreg:$0x2];
	[bflag:$0x3] =	sbarrier.arrive $0xFFFF;
	s2 =	simm.s32 @!p0 $0x1C05  }
0x15c: {  	[timem:s3], [sflag:s2] =	dma.local @!p0 [hbm:s0], s1  }
0x15d: {  	s0 =	simm.s32 @!p0 $0x5  }
0x15e: {  	_ =	swait.ge @!p0 [sflag:s0], s1  }
0x15f: {  	s1 =	ssub.s32 @!p0 $0x0, s1;
	[sflag:s0] =	ssyncset.done @!p0 $0x0  }
0x160: {  	[sflag:s0] =	ssyncadd.s32 @!p0 s1  }
0x161: {  	[bflag:$0x3] =	sbarrier.arrive $0xFFFF  }
0x162: {  	_ =	shalt  }

</sc_bundles>
